<compile_context>
chip_gen: v7x
topology: tpu7x:2x2x1
jax: 0.10.2.dev20260603
libtpu: 0.0.44.dev20260713+nightly
codegen_flags: <defaults>
</compile_context>

<pallas_src>
import functools

import jax
import jax.numpy as jnp
from jax import lax
from jax.experimental import pallas as pl
from jax.experimental.pallas import tpu as pltpu
from jax.experimental.pallas import tpu_sc as plsc

N = 10000
E = 320000
D = 128
H = 20

Hp = 32
NSH = 10240
NC = 2
NS = 16
NW = NC * NS
G = 88
EPAD = NW * G * 128
EW = EPAD // NW
RN = NSH // NS
RB = 1280
NB = NSH // RB

_MESH = dict(core_axis_name="c", subcore_axis_name="s",
             num_cores=NC, num_subcores=NS)


def _deg_pass(dst_all):

    @functools.partial(
        pl.kernel,
        out_type=jax.ShapeDtypeStruct((NW, NSH), jnp.float32),
        mesh=plsc.VectorSubcoreMesh(**_MESH),
        scratch_types=[
            pltpu.VMEM((EW,), jnp.int32),
            pltpu.VMEM((NSH,), jnp.float32),
        ],
        compiler_params=pltpu.CompilerParams(needs_layout_passes=False),
    )
    def k(dst_hbm, out_hbm, idx_v, deg_v):
        c = lax.axis_index("c")
        s = lax.axis_index("s")
        wid = s * NC + c
        z = jnp.zeros((16,), jnp.float32)

        def zero(i, carry):
            deg_v[pl.ds(i * 16, 16)] = z
            return carry

        lax.fori_loop(0, NSH // 16, zero, 0)
        pltpu.sync_copy(dst_hbm.at[pl.ds(wid * EW, EW)], idx_v)
        ones = jnp.ones((16,), jnp.float32)

        def body(i, carry):
            idx = idx_v[pl.ds(i * 16, 16)]
            plsc.addupdate_scatter(deg_v, [idx], ones)
            return carry

        lax.fori_loop(0, EW // 16, body, 0)
        pltpu.sync_copy(deg_v, out_hbm.at[wid])

    return k(dst_all)


def _agg_pass(g, src2d, dst2d):

    @functools.partial(
        pl.kernel,
        out_type=jax.ShapeDtypeStruct((NC, NSH, Hp), jnp.float32),
        mesh=plsc.VectorSubcoreMesh(**_MESH),
        compiler_params=pltpu.CompilerParams(use_tc_tiling_on_sc=False),
        scratch_types=[
            pltpu.VMEM((G, 128), jnp.int32),
            pltpu.VMEM((G, 128), jnp.int32),
            [pltpu.VMEM((128, Hp), jnp.float32)] * 4,
            [pltpu.SemaphoreType.DMA] * 4,
            [pltpu.SemaphoreType.DMA] * 4,
            pltpu.VMEM_SHARED((NSH, Hp), jnp.float32),
        ],
    )
    def k(g_hbm, src_hbm, dst_hbm, out_hbm, src_v, dst_v, rows, sg, ss,
          acc_sh):
        c = lax.axis_index("c")
        s = lax.axis_index("s")
        wid = s * NC + c
        pltpu.sync_copy(src_hbm.at[pl.ds(wid * G, G)], src_v)
        pltpu.sync_copy(dst_hbm.at[pl.ds(wid * G, G)], dst_v)
        z = jnp.zeros((16,), jnp.float32)

        def zrow(i, carry):
            for t in range(Hp // 16):
                rows[0][i, pl.ds(t * 16, 16)] = z
            return carry

        lax.fori_loop(0, 128, zrow, 0)

        def zcopy(i, carry):
            pltpu.sync_copy(rows[0], acc_sh.at[pl.ds(s * RN + i * 128, 128)])
            return carry

        lax.fori_loop(0, RN // 128, zcopy, 0)
        plsc.subcore_barrier()

        def quad(q, carry):
            for t in range(4):
                @pl.when(q > 0)
                def _():
                    pltpu.make_async_copy(
                        rows[t], acc_sh.at[dst_v.at[4 * (q - 1) + t]],
                        ss[t]).wait()
                pltpu.async_copy(g_hbm.at[src_v.at[4 * q + t]], rows[t],
                                 sg[t])
            for t in range(4):
                pltpu.make_async_copy(g_hbm.at[src_v.at[4 * q + t]], rows[t],
                                      sg[t]).wait()
                pltpu.async_copy(rows[t], acc_sh.at[dst_v.at[4 * q + t]],
                                 ss[t], add=True)
            return carry

        lax.fori_loop(0, G // 4, quad, 0)
        for t in range(4):
            pltpu.make_async_copy(
                rows[t], acc_sh.at[dst_v.at[G - 4 + t]], ss[t]).wait()
        plsc.subcore_barrier()

        def wback(i, carry):
            pltpu.sync_copy(acc_sh.at[pl.ds(s * RN + i * 128, 128)], rows[0])
            pltpu.sync_copy(rows[0],
                            out_hbm.at[c, pl.ds(s * RN + i * 128, 128)])
            return carry

        lax.fori_loop(0, RN // 128, wback, 0)

    return k(g, src2d, dst2d)


def _elu(v):
    return jnp.where(v > 0, v, jnp.exp(v) - 1.0)


def _dense1(xp, W1p, deg_parts):
    def body(x_ref, w_ref, dp_ref, g_ref, dinv_ref):
        h = lax.dot_general(x_ref[...], w_ref[...], (((1,), (1,)), ((), ())),
                            preferred_element_type=jnp.float32)
        deg = jnp.sum(dp_ref[...], axis=0)
        dinv = lax.rsqrt(deg)
        g_ref[...] = h * dinv[:, None]
        dinv_ref[...] = dinv[:, None]

    return pl.pallas_call(
        body,
        grid=(NB,),
        in_specs=[
            pl.BlockSpec((RB, D), lambda i: (i, 0)),
            pl.BlockSpec((Hp, D), lambda i: (0, 0)),
            pl.BlockSpec((NW, RB), lambda i: (0, i)),
        ],
        out_specs=[
            pl.BlockSpec((RB, Hp), lambda i: (i, 0)),
            pl.BlockSpec((RB, 1), lambda i: (i, 0)),
        ],
        out_shape=[
            jax.ShapeDtypeStruct((NSH, Hp), jnp.float32),
            jax.ShapeDtypeStruct((NSH, 1), jnp.float32),
        ],
    )(xp, W1p, deg_parts)


def _dense2(a0, a1, dinv, b1p, W2p):
    def body(a0_ref, a1_ref, dv_ref, b_ref, w_ref, g_ref):
        dv = dv_ref[...]
        h2 = _elu(dv * (a0_ref[...] + a1_ref[...]) + b_ref[...])
        t = lax.dot_general(h2, w_ref[...], (((1,), (1,)), ((), ())),
                            preferred_element_type=jnp.float32)
        g_ref[...] = t * dv

    return pl.pallas_call(
        body,
        grid=(NB,),
        in_specs=[
            pl.BlockSpec((RB, Hp), lambda i: (i, 0)),
            pl.BlockSpec((RB, Hp), lambda i: (i, 0)),
            pl.BlockSpec((RB, 1), lambda i: (i, 0)),
            pl.BlockSpec((1, Hp), lambda i: (0, 0)),
            pl.BlockSpec((Hp, Hp), lambda i: (0, 0)),
        ],
        out_specs=pl.BlockSpec((RB, Hp), lambda i: (i, 0)),
        out_shape=jax.ShapeDtypeStruct((NSH, Hp), jnp.float32),
    )(a0, a1, dinv, b1p, W2p)


def _dense3(a0, a1, dinv, b2p, Wd1p, bd1p, Wd2p, bd2b):
    def body(a0_ref, a1_ref, dv_ref, b2_ref, w1_ref, c1_ref, w2_ref, c2_ref,
             o_ref):
        dv = dv_ref[...]
        h3 = _elu(dv * (a0_ref[...] + a1_ref[...]) + b2_ref[...])
        d1 = lax.dot_general(h3, w1_ref[...], (((1,), (1,)), ((), ())),
                             preferred_element_type=jnp.float32)
        d1 = jnp.maximum(d1 + c1_ref[...], 0.0)
        o = lax.dot_general(d1, w2_ref[...], (((1,), (1,)), ((), ())),
                            preferred_element_type=jnp.float32)
        o_ref[...] = o + c2_ref[...]

    return pl.pallas_call(
        body,
        grid=(NB,),
        in_specs=[
            pl.BlockSpec((RB, Hp), lambda i: (i, 0)),
            pl.BlockSpec((RB, Hp), lambda i: (i, 0)),
            pl.BlockSpec((RB, 1), lambda i: (i, 0)),
            pl.BlockSpec((1, Hp), lambda i: (0, 0)),
            pl.BlockSpec((Hp, Hp), lambda i: (0, 0)),
            pl.BlockSpec((1, Hp), lambda i: (0, 0)),
            pl.BlockSpec((8, Hp), lambda i: (0, 0)),
            pl.BlockSpec((1, 8), lambda i: (0, 0)),
        ],
        out_specs=pl.BlockSpec((RB, 8), lambda i: (i, 0)),
        out_shape=jax.ShapeDtypeStruct((NSH, 8), jnp.float32),
    )(a0, a1, dinv, b2p, Wd1p, bd1p, Wd2p, bd2b)


def kernel(x, edge_index, W1, b1, W2, b2, Wd1, bd1, Wd2, bd2):
    loop = jnp.arange(N, dtype=jnp.int32)
    padi = jnp.full((EPAD - E - N,), N, jnp.int32)
    src_all = jnp.concatenate([edge_index[0], loop, padi])
    dst_all = jnp.concatenate([edge_index[1], loop, padi])
    src2d = src_all.reshape(EPAD // 128, 128)
    dst2d = dst_all.reshape(EPAD // 128, 128)

    xp = jnp.pad(x, ((0, NSH - N), (0, 0)))
    W1p = jnp.pad(W1, ((0, Hp - H), (0, 0)))
    W2p = jnp.pad(W2, ((0, Hp - H), (0, Hp - H)))
    b1p = jnp.pad(b1, (0, Hp - H)).reshape(1, Hp)
    b2p = jnp.pad(b2, (0, Hp - H)).reshape(1, Hp)
    Wd1p = jnp.pad(Wd1, ((0, Hp - 10), (0, Hp - H)))
    bd1p = jnp.pad(bd1, (0, Hp - 10)).reshape(1, Hp)
    Wd2p = jnp.pad(Wd2, ((0, 8 - 1), (0, Hp - 10)))
    bd2b = jnp.broadcast_to(bd2, (8,)).reshape(1, 8)

    deg_parts = _deg_pass(dst_all)
    g1, dinv = _dense1(xp, W1p, deg_parts)
    agg1 = _agg_pass(g1, src2d, dst2d)
    g2 = _dense2(agg1[0], agg1[1], dinv, b1p, W2p)
    agg2 = _agg_pass(g2, src2d, dst2d)
    out8 = _dense3(agg2[0], agg2[1], dinv, b2p, Wd1p, bd1p, Wd2p, bd2b)
    return out8[:N, :1]

# --- scband reference (transcript-rebuilt; emitter-appended) ---
"""Pipeline reference for scband-static-gnn-44229573214310 (READ-ONLY COPY).

The authoritative reference and input builder live on the scoring server;
editing this copy changes nothing except your own understanding.
"""

import jax, jax.numpy as jnp
import numpy as np

N = 10000
E = 320000
D = 128
H = 20


def setup_inputs(seed: int = 0) -> dict:
    key = jax.random.key(seed)
    ks = jax.random.split(key, 12)
    x = jax.random.normal(ks[0], (N, D), dtype=jnp.float32)
    edge_index = jax.random.randint(ks[1], (2, E), 0, N, dtype=jnp.int32)
    # GCNConv1: in=128 -> hidden=20
    W1 = jax.random.normal(ks[2], (H, D), dtype=jnp.float32) * (1.0 / np.sqrt(D))
    b1 = jnp.zeros((H,), dtype=jnp.float32)
    # GCNConv2: hidden=20 -> hidden=20
    W2 = jax.random.normal(ks[3], (H, H), dtype=jnp.float32) * (1.0 / np.sqrt(H))
    b2 = jnp.zeros((H,), dtype=jnp.float32)
    # PaperDecoder: Linear(20->10), ReLU, Dropout(eval=identity), Linear(10->1)
    Wd1 = jax.random.normal(ks[4], (10, H), dtype=jnp.float32) * (1.0 / np.sqrt(H))
    bd1 = jnp.zeros((10,), dtype=jnp.float32)
    Wd2 = jax.random.normal(ks[5], (1, 10), dtype=jnp.float32) * (1.0 / np.sqrt(10))
    bd2 = jnp.zeros((1,), dtype=jnp.float32)
    return {"x": x, "edge_index": edge_index, "W1": W1, "b1": b1, "W2": W2,
            "b2": b2, "Wd1": Wd1, "bd1": bd1, "Wd2": Wd2, "bd2": bd2}


def _gcn_conv(x, edge_index, W, b):
    # PyG GCNConv with add_self_loops=True, symmetric normalization, bias
    h = x @ W.T
    loop = jnp.arange(N, dtype=edge_index.dtype)
    src = jnp.concatenate([edge_index[0], loop])
    dst = jnp.concatenate([edge_index[1], loop])
    deg = jnp.zeros((N,), dtype=h.dtype).at[dst].add(1.0)
    dinv = jnp.where(deg > 0, 1.0 / jnp.sqrt(deg), 0.0)
    norm = dinv[src] * dinv[dst]
    msg = h[src] * norm[:, None]
    out = jnp.zeros_like(h).at[dst].add(msg)
    return out + b


def reference(x, edge_index, W1, b1, W2, b2, Wd1, bd1, Wd2, bd2):
    # conv1 + ELU
    h = jax.nn.elu(_gcn_conv(x, edge_index, W1, b1))
    # dropout (p=0.5) is identity in eval mode
    # conv2 + ELU
    h = jax.nn.elu(_gcn_conv(h, edge_index, W2, b2))
    # decoder: Linear(20->10) + ReLU + Dropout(eval identity) + Linear(10->1)
    d = jax.nn.relu(h @ Wd1.T + bd1)
    out = d @ Wd2.T + bd2
    return out

if __name__ == "__main__":
    import jax
    _d = setup_inputs()
    print(jax.jit(kernel)(*tuple(_d.values())))

</pallas_src>

<mosaic_0001>
#map = affine_map<(d0, d1) -> (0, 0)>
#map1 = affine_map<(d0, d1) -> (0, 0, 0)>
module attributes {stable_mosaic.version = 14 : i64} {
  func.func @k(%arg0: i32, %arg1: i32, %arg2: memref<10240x32xf32, #tpu.memory_space<hbm>>, %arg3: memref<2816x128xi32, #tpu.memory_space<hbm>>, %arg4: memref<2816x128xi32, #tpu.memory_space<hbm>>, %arg5: memref<2x10240x32xf32, #tpu.memory_space<hbm>>, %arg6: memref<88x128xi32, #tpu.memory_space<vmem>>, %arg7: memref<88x128xi32, #tpu.memory_space<vmem>>, %arg8: memref<128x32xf32, #tpu.memory_space<vmem>>, %arg9: memref<128x32xf32, #tpu.memory_space<vmem>>, %arg10: memref<128x32xf32, #tpu.memory_space<vmem>>, %arg11: memref<128x32xf32, #tpu.memory_space<vmem>>, %arg12: memref<!tpu.dma_semaphore, #tpu.memory_space<semaphore_mem>>, %arg13: memref<!tpu.dma_semaphore, #tpu.memory_space<semaphore_mem>>, %arg14: memref<!tpu.dma_semaphore, #tpu.memory_space<semaphore_mem>>, %arg15: memref<!tpu.dma_semaphore, #tpu.memory_space<semaphore_mem>>, %arg16: memref<!tpu.dma_semaphore, #tpu.memory_space<semaphore_mem>>, %arg17: memref<!tpu.dma_semaphore, #tpu.memory_space<semaphore_mem>>, %arg18: memref<!tpu.dma_semaphore, #tpu.memory_space<semaphore_mem>>, %arg19: memref<!tpu.dma_semaphore, #tpu.memory_space<semaphore_mem>>, %arg20: memref<10240x32xf32, #tpu.memory_space<vmem_shared>>) attributes {dimension_semantics = [#tpu.dimension_semantics<core_parallel>, #tpu.dimension_semantics<subcore_parallel>], iteration_bounds = array<i64: 2, 16>, scalar_prefetch = 0 : i64, scratch_operands = 15 : i64, tpu.core_type = #tpu.core_type<sc_vector_subcore>, window_params = [{transform_indices = #map}, {transform_indices = #map}, {transform_indices = #map}, {transform_indices = #map1}]} {
    %mul3A = arith.constant 2 : i32
    %mul3A_0 = arith.muli %arg1, %mul3A : i32
    %add3A = arith.addi %mul3A_0, %arg0 : i32
    %mul3A_1 = arith.constant 88 : i32
    %mul3A_2 = arith.muli %add3A, %mul3A_1 : i32
    "tpu.region"() ({
      %run_scoped3A = tpu.sem_alloc : memref<!tpu.dma_semaphore, #tpu.memory_space<semaphore_mem>>
      %dma_start3A = arith.constant 0 : i32
      %dma_start3A_57 = tpu.memref_slice %arg3[%mul3A_2, %dma_start3A] : memref<2816x128xi32, #tpu.memory_space<hbm>> -> memref<88x128xi32, #tpu.memory_space<hbm>>
      %dma_start3A_58 = arith.constant 0 : i32
      %dma_start3A_59 = tpu.memref_slice %arg3[%mul3A_2, %dma_start3A_58] : memref<2816x128xi32, #tpu.memory_space<hbm>> -> memref<88x128xi32, #tpu.memory_space<hbm>>
      tpu.enqueue_dma source(%dma_start3A_59 : memref<88x128xi32, #tpu.memory_space<hbm>>) target(%arg6 : memref<88x128xi32, #tpu.memory_space<vmem>>) target_semaphore(%run_scoped3A : memref<!tpu.dma_semaphore, #tpu.memory_space<semaphore_mem>>)
      %dma_wait3A_60 = arith.constant 0 : i32
      %dma_wait3A_61 = tpu.memref_slice %arg3[%mul3A_2, %dma_wait3A_60] : memref<2816x128xi32, #tpu.memory_space<hbm>> -> memref<88x128xi32, #tpu.memory_space<hbm>>
      %dma_wait3A_62 = arith.constant 0 : i32
      %dma_wait3A_63 = tpu.memref_slice %arg3[%mul3A_2, %dma_wait3A_62] : memref<2816x128xi32, #tpu.memory_space<hbm>> -> memref<88x128xi32, #tpu.memory_space<hbm>>
      tpu.wait_dma2 semaphore(%run_scoped3A : memref<!tpu.dma_semaphore, #tpu.memory_space<semaphore_mem>>) src(%dma_wait3A_63 : memref<88x128xi32, #tpu.memory_space<hbm>>) dst(%arg6 : memref<88x128xi32, #tpu.memory_space<vmem>>)
      tpu.yield
    }) : () -> ()
    %mul3A_3 = arith.constant 88 : i32
    %mul3A_4 = arith.muli %add3A, %mul3A_3 : i32
    "tpu.region"() ({
      %run_scoped3A = tpu.sem_alloc : memref<!tpu.dma_semaphore, #tpu.memory_space<semaphore_mem>>
      %dma_start3A = arith.constant 0 : i32
      %dma_start3A_57 = tpu.memref_slice %arg4[%mul3A_4, %dma_start3A] : memref<2816x128xi32, #tpu.memory_space<hbm>> -> memref<88x128xi32, #tpu.memory_space<hbm>>
      %dma_start3A_58 = arith.constant 0 : i32
      %dma_start3A_59 = tpu.memref_slice %arg4[%mul3A_4, %dma_start3A_58] : memref<2816x128xi32, #tpu.memory_space<hbm>> -> memref<88x128xi32, #tpu.memory_space<hbm>>
      tpu.enqueue_dma source(%dma_start3A_59 : memref<88x128xi32, #tpu.memory_space<hbm>>) target(%arg7 : memref<88x128xi32, #tpu.memory_space<vmem>>) target_semaphore(%run_scoped3A : memref<!tpu.dma_semaphore, #tpu.memory_space<semaphore_mem>>)
      %dma_wait3A_60 = arith.constant 0 : i32
      %dma_wait3A_61 = tpu.memref_slice %arg4[%mul3A_4, %dma_wait3A_60] : memref<2816x128xi32, #tpu.memory_space<hbm>> -> memref<88x128xi32, #tpu.memory_space<hbm>>
      %dma_wait3A_62 = arith.constant 0 : i32
      %dma_wait3A_63 = tpu.memref_slice %arg4[%mul3A_4, %dma_wait3A_62] : memref<2816x128xi32, #tpu.memory_space<hbm>> -> memref<88x128xi32, #tpu.memory_space<hbm>>
      tpu.wait_dma2 semaphore(%run_scoped3A : memref<!tpu.dma_semaphore, #tpu.memory_space<semaphore_mem>>) src(%dma_wait3A_63 : memref<88x128xi32, #tpu.memory_space<hbm>>) dst(%arg7 : memref<88x128xi32, #tpu.memory_space<vmem>>)
      tpu.yield
    }) : () -> ()
    %broadcast_in_dim3A = arith.constant 0.000000e+00 : f32
    %broadcast_in_dim3A_5 = vector.broadcast %broadcast_in_dim3A : f32 to vector<16xf32>
    %scan3A = arith.constant 0 : i32
    %scan3A_6 = arith.constant 0 : i32
    %scan3A_7 = arith.constant 128 : i32
    %scan3A_8 = arith.addi %scan3A_6, %scan3A_7 : i32
    %scan3A_9 = arith.constant 1 : i32
    scf.for %scan3A_57 = %scan3A_6 to %scan3A_8 step %scan3A_9  : i32 {
      %swap3A = arith.index_cast %scan3A_57 : i32 to index
      %swap3A_58 = arith.constant 0 : index
      %swap3A_59 = tpu.vector_load %arg8[%swap3A, %swap3A_58] {strides = array<i32>} : memref<128x32xf32, #tpu.memory_space<vmem>>, vector<1x16xf32>,
      %swap3A_60 = vector.shape_cast %swap3A_59 : vector<1x16xf32> to vector<16xf32>
      %swap3A_61 = vector.shape_cast %broadcast_in_dim3A_5 : vector<16xf32> to vector<1x16xf32>
      tpu.vector_store %arg8[%swap3A, %swap3A_58], %swap3A_61 {strides = array<i32>} : memref<128x32xf32, #tpu.memory_space<vmem>>, vector<1x16xf32>,
      %swap3A_62 = arith.index_cast %scan3A_57 : i32 to index
      %swap3A_63 = arith.constant 16 : index
      %swap3A_64 = tpu.vector_load %arg8[%swap3A_62, %swap3A_63] {strides = array<i32>} : memref<128x32xf32, #tpu.memory_space<vmem>>, vector<1x16xf32>,
      %swap3A_65 = vector.shape_cast %swap3A_64 : vector<1x16xf32> to vector<16xf32>
      %swap3A_66 = vector.shape_cast %broadcast_in_dim3A_5 : vector<16xf32> to vector<1x16xf32>
      tpu.vector_store %arg8[%swap3A_62, %swap3A_63], %swap3A_66 {strides = array<i32>} : memref<128x32xf32, #tpu.memory_space<vmem>>, vector<1x16xf32>,
    }
    %scan3A_10 = arith.constant 128 : i32
    %scan3A_11 = arith.constant 0 : i32
    %scan3A_12 = arith.constant 0 : i32
    %scan3A_13 = arith.constant 5 : i32
    %scan3A_14 = arith.addi %scan3A_12, %scan3A_13 : i32
    %scan3A_15 = arith.constant 1 : i32
    scf.for %scan3A_57 = %scan3A_12 to %scan3A_14 step %scan3A_15  : i32 {
      %mul3A_58 = arith.constant 640 : i32
      %mul3A_59 = arith.muli %arg1, %mul3A_58 : i32
      %mul3A_60 = arith.constant 128 : i32
      %mul3A_61 = arith.muli %scan3A_57, %mul3A_60 : i32
      %add3A_62 = arith.addi %mul3A_59, %mul3A_61 : i32
      "tpu.region"() ({
        %run_scoped3A = tpu.sem_alloc : memref<!tpu.dma_semaphore, #tpu.memory_space<semaphore_mem>>
        %dma_start3A = arith.constant 0 : i32
        %dma_start3A_63 = tpu.memref_slice %arg20[%add3A_62, %dma_start3A] : memref<10240x32xf32, #tpu.memory_space<vmem_shared>> -> memref<128x32xf32, #tpu.memory_space<vmem_shared>>
        %dma_start3A_64 = arith.constant 0 : i32
        %dma_start3A_65 = tpu.memref_slice %arg20[%add3A_62, %dma_start3A_64] : memref<10240x32xf32, #tpu.memory_space<vmem_shared>> -> memref<128x32xf32, #tpu.memory_space<vmem_shared>>
        tpu.enqueue_dma source(%arg8 : memref<128x32xf32, #tpu.memory_space<vmem>>) target(%dma_start3A_65 : memref<128x32xf32, #tpu.memory_space<vmem_shared>>) target_semaphore(%run_scoped3A : memref<!tpu.dma_semaphore, #tpu.memory_space<semaphore_mem>>)
        %dma_wait3A_66 = arith.constant 0 : i32
        %dma_wait3A_67 = tpu.memref_slice %arg20[%add3A_62, %dma_wait3A_66] : memref<10240x32xf32, #tpu.memory_space<vmem_shared>> -> memref<128x32xf32, #tpu.memory_space<vmem_shared>>
        %dma_wait3A_68 = arith.constant 0 : i32
        %dma_wait3A_69 = tpu.memref_slice %arg20[%add3A_62, %dma_wait3A_68] : memref<10240x32xf32, #tpu.memory_space<vmem_shared>> -> memref<128x32xf32, #tpu.memory_space<vmem_shared>>
        tpu.wait_dma2 semaphore(%run_scoped3A : memref<!tpu.dma_semaphore, #tpu.memory_space<semaphore_mem>>) src(%arg8 : memref<128x32xf32, #tpu.memory_space<vmem>>) dst(%dma_wait3A_69 : memref<128x32xf32, #tpu.memory_space<vmem_shared>>)
        tpu.yield
      }) : () -> ()
    }
    %scan3A_16 = arith.constant 5 : i32
    %barrier3A = arith.constant 0 : index
    tpu.barrier barrier_id(%barrier3A)
    %scan3A_17 = arith.constant 0 : i32
    %scan3A_18 = arith.constant 0 : i32
    %scan3A_19 = arith.constant 22 : i32
    %scan3A_20 = arith.addi %scan3A_18, %scan3A_19 : i32
    %scan3A_21 = arith.constant 1 : i32
    scf.for %scan3A_57 = %scan3A_18 to %scan3A_20 step %scan3A_21  : i32 {
      %gt3A = arith.constant 0 : i32
      %gt3A_58 = arith.cmpi sgt, %scan3A_57, %gt3A : i32
      %convert_element_type3A = arith.extui %gt3A_58 : i1 to i32
      %cond3A = arith.constant 0 : i32
      %cond3A_59 = arith.cmpi ne, %convert_element_type3A, %cond3A : i32
      scf.if %cond3A_59 {
        %sub3A = arith.constant 1 : i32
        %sub3A_194 = arith.subi %scan3A_57, %sub3A : i32
        %mul3A_195 = arith.constant 4 : i32
        %mul3A_196 = arith.muli %mul3A_195, %sub3A_194 : i32
        %add3A_197 = arith.constant 0 : i32
        %add3A_198 = arith.addi %mul3A_196, %add3A_197 : i32
        %dma_wait3A_199 = arith.constant 0 : i32
        %dma_wait3A_200 = tpu.memref_slice %arg7[%add3A_198, %dma_wait3A_199] : memref<88x128xi32, #tpu.memory_space<vmem>> -> memref<1x128xi32, #tpu.memory_space<vmem>>
        %dma_wait3A_201 = tpu.memref_squeeze %dma_wait3A_200 : memref<1x128xi32, #tpu.memory_space<vmem>> -> memref<128xi32, #tpu.memory_space<vmem>>
        %dma_wait3A_202 = arith.constant 0 : i32
        %dma_wait3A_203 = arith.constant 0 : i32
        %dma_wait3A_204 = tpu.memref_slice %arg20[%dma_wait3A_202, %dma_wait3A_203] : memref<10240x32xf32, #tpu.memory_space<vmem_shared>> -> memref<10240x32xf32, #tpu.memory_space<vmem_shared>>
        tpu.wait_indirect_dma semaphore(%arg16 : memref<!tpu.dma_semaphore, #tpu.memory_space<semaphore_mem>>) src(%arg8 : memref<128x32xf32, #tpu.memory_space<vmem>>) dst(%dma_wait3A_204 : memref<10240x32xf32, #tpu.memory_space<vmem_shared>>)
      } else {
      }
      %mul3A_60 = arith.constant 4 : i32
      %mul3A_61 = arith.muli %mul3A_60, %scan3A_57 : i32
      %add3A_62 = arith.constant 0 : i32
      %add3A_63 = arith.addi %mul3A_61, %add3A_62 : i32
      %dma_start3A = arith.constant 0 : i32
      %dma_start3A_64 = tpu.memref_slice %arg6[%add3A_63, %dma_start3A] : memref<88x128xi32, #tpu.memory_space<vmem>> -> memref<1x128xi32, #tpu.memory_space<vmem>>
      %dma_start3A_65 = tpu.memref_squeeze %dma_start3A_64 : memref<1x128xi32, #tpu.memory_space<vmem>> -> memref<128xi32, #tpu.memory_space<vmem>>
      %dma_start3A_66 = arith.constant 0 : i32
      %dma_start3A_67 = arith.constant 0 : i32
      %dma_start3A_68 = tpu.memref_slice %arg2[%dma_start3A_66, %dma_start3A_67] : memref<10240x32xf32, #tpu.memory_space<hbm>> -> memref<10240x32xf32, #tpu.memory_space<hbm>>
      tpu.enqueue_indirect_dma source(%dma_start3A_68 : memref<10240x32xf32, #tpu.memory_space<hbm>>) target(%arg8 : memref<128x32xf32, #tpu.memory_space<vmem>>) offsets(%dma_start3A_65 : memref<128xi32, #tpu.memory_space<vmem>>) semaphore(%arg12 : memref<!tpu.dma_semaphore, #tpu.memory_space<semaphore_mem>>)
      %gt3A_69 = arith.constant 0 : i32
      %gt3A_70 = arith.cmpi sgt, %scan3A_57, %gt3A_69 : i32
      %convert_element_type3A_71 = arith.extui %gt3A_70 : i1 to i32
      %cond3A_72 = arith.constant 0 : i32
      %cond3A_73 = arith.cmpi ne, %convert_element_type3A_71, %cond3A_72 : i32
      scf.if %cond3A_73 {
        %sub3A = arith.constant 1 : i32
        %sub3A_194 = arith.subi %scan3A_57, %sub3A : i32
        %mul3A_195 = arith.constant 4 : i32
        %mul3A_196 = arith.muli %mul3A_195, %sub3A_194 : i32
        %add3A_197 = arith.constant 1 : i32
        %add3A_198 = arith.addi %mul3A_196, %add3A_197 : i32
        %dma_wait3A_199 = arith.constant 0 : i32
        %dma_wait3A_200 = tpu.memref_slice %arg7[%add3A_198, %dma_wait3A_199] : memref<88x128xi32, #tpu.memory_space<vmem>> -> memref<1x128xi32, #tpu.memory_space<vmem>>
        %dma_wait3A_201 = tpu.memref_squeeze %dma_wait3A_200 : memref<1x128xi32, #tpu.memory_space<vmem>> -> memref<128xi32, #tpu.memory_space<vmem>>
        %dma_wait3A_202 = arith.constant 0 : i32
        %dma_wait3A_203 = arith.constant 0 : i32
        %dma_wait3A_204 = tpu.memref_slice %arg20[%dma_wait3A_202, %dma_wait3A_203] : memref<10240x32xf32, #tpu.memory_space<vmem_shared>> -> memref<10240x32xf32, #tpu.memory_space<vmem_shared>>
        tpu.wait_indirect_dma semaphore(%arg17 : memref<!tpu.dma_semaphore, #tpu.memory_space<semaphore_mem>>) src(%arg9 : memref<128x32xf32, #tpu.memory_space<vmem>>) dst(%dma_wait3A_204 : memref<10240x32xf32, #tpu.memory_space<vmem_shared>>)
      } else {
      }
      %mul3A_74 = arith.constant 4 : i32
      %mul3A_75 = arith.muli %mul3A_74, %scan3A_57 : i32
      %add3A_76 = arith.constant 1 : i32
      %add3A_77 = arith.addi %mul3A_75, %add3A_76 : i32
      %dma_start3A_78 = arith.constant 0 : i32
      %dma_start3A_79 = tpu.memref_slice %arg6[%add3A_77, %dma_start3A_78] : memref<88x128xi32, #tpu.memory_space<vmem>> -> memref<1x128xi32, #tpu.memory_space<vmem>>
      %dma_start3A_80 = tpu.memref_squeeze %dma_start3A_79 : memref<1x128xi32, #tpu.memory_space<vmem>> -> memref<128xi32, #tpu.memory_space<vmem>>
      %dma_start3A_81 = arith.constant 0 : i32
      %dma_start3A_82 = arith.constant 0 : i32
      %dma_start3A_83 = tpu.memref_slice %arg2[%dma_start3A_81, %dma_start3A_82] : memref<10240x32xf32, #tpu.memory_space<hbm>> -> memref<10240x32xf32, #tpu.memory_space<hbm>>
      tpu.enqueue_indirect_dma source(%dma_start3A_83 : memref<10240x32xf32, #tpu.memory_space<hbm>>) target(%arg9 : memref<128x32xf32, #tpu.memory_space<vmem>>) offsets(%dma_start3A_80 : memref<128xi32, #tpu.memory_space<vmem>>) semaphore(%arg13 : memref<!tpu.dma_semaphore, #tpu.memory_space<semaphore_mem>>)
      %gt3A_84 = arith.constant 0 : i32
      %gt3A_85 = arith.cmpi sgt, %scan3A_57, %gt3A_84 : i32
      %convert_element_type3A_86 = arith.extui %gt3A_85 : i1 to i32
      %cond3A_87 = arith.constant 0 : i32
      %cond3A_88 = arith.cmpi ne, %convert_element_type3A_86, %cond3A_87 : i32
      scf.if %cond3A_88 {
        %sub3A = arith.constant 1 : i32
        %sub3A_194 = arith.subi %scan3A_57, %sub3A : i32
        %mul3A_195 = arith.constant 4 : i32
        %mul3A_196 = arith.muli %mul3A_195, %sub3A_194 : i32
        %add3A_197 = arith.constant 2 : i32
        %add3A_198 = arith.addi %mul3A_196, %add3A_197 : i32
        %dma_wait3A_199 = arith.constant 0 : i32
        %dma_wait3A_200 = tpu.memref_slice %arg7[%add3A_198, %dma_wait3A_199] : memref<88x128xi32, #tpu.memory_space<vmem>> -> memref<1x128xi32, #tpu.memory_space<vmem>>
        %dma_wait3A_201 = tpu.memref_squeeze %dma_wait3A_200 : memref<1x128xi32, #tpu.memory_space<vmem>> -> memref<128xi32, #tpu.memory_space<vmem>>
        %dma_wait3A_202 = arith.constant 0 : i32
        %dma_wait3A_203 = arith.constant 0 : i32
        %dma_wait3A_204 = tpu.memref_slice %arg20[%dma_wait3A_202, %dma_wait3A_203] : memref<10240x32xf32, #tpu.memory_space<vmem_shared>> -> memref<10240x32xf32, #tpu.memory_space<vmem_shared>>
        tpu.wait_indirect_dma semaphore(%arg18 : memref<!tpu.dma_semaphore, #tpu.memory_space<semaphore_mem>>) src(%arg10 : memref<128x32xf32, #tpu.memory_space<vmem>>) dst(%dma_wait3A_204 : memref<10240x32xf32, #tpu.memory_space<vmem_shared>>)
      } else {
      }
      %mul3A_89 = arith.constant 4 : i32
      %mul3A_90 = arith.muli %mul3A_89, %scan3A_57 : i32
      %add3A_91 = arith.constant 2 : i32
      %add3A_92 = arith.addi %mul3A_90, %add3A_91 : i32
      %dma_start3A_93 = arith.constant 0 : i32
      %dma_start3A_94 = tpu.memref_slice %arg6[%add3A_92, %dma_start3A_93] : memref<88x128xi32, #tpu.memory_space<vmem>> -> memref<1x128xi32, #tpu.memory_space<vmem>>
      %dma_start3A_95 = tpu.memref_squeeze %dma_start3A_94 : memref<1x128xi32, #tpu.memory_space<vmem>> -> memref<128xi32, #tpu.memory_space<vmem>>
      %dma_start3A_96 = arith.constant 0 : i32
      %dma_start3A_97 = arith.constant 0 : i32
      %dma_start3A_98 = tpu.memref_slice %arg2[%dma_start3A_96, %dma_start3A_97] : memref<10240x32xf32, #tpu.memory_space<hbm>> -> memref<10240x32xf32, #tpu.memory_space<hbm>>
      tpu.enqueue_indirect_dma source(%dma_start3A_98 : memref<10240x32xf32, #tpu.memory_space<hbm>>) target(%arg10 : memref<128x32xf32, #tpu.memory_space<vmem>>) offsets(%dma_start3A_95 : memref<128xi32, #tpu.memory_space<vmem>>) semaphore(%arg14 : memref<!tpu.dma_semaphore, #tpu.memory_space<semaphore_mem>>)
      %gt3A_99 = arith.constant 0 : i32
      %gt3A_100 = arith.cmpi sgt, %scan3A_57, %gt3A_99 : i32
      %convert_element_type3A_101 = arith.extui %gt3A_100 : i1 to i32
      %cond3A_102 = arith.constant 0 : i32
      %cond3A_103 = arith.cmpi ne, %convert_element_type3A_101, %cond3A_102 : i32
      scf.if %cond3A_103 {
        %sub3A = arith.constant 1 : i32
        %sub3A_194 = arith.subi %scan3A_57, %sub3A : i32
        %mul3A_195 = arith.constant 4 : i32
        %mul3A_196 = arith.muli %mul3A_195, %sub3A_194 : i32
        %add3A_197 = arith.constant 3 : i32
        %add3A_198 = arith.addi %mul3A_196, %add3A_197 : i32
        %dma_wait3A_199 = arith.constant 0 : i32
        %dma_wait3A_200 = tpu.memref_slice %arg7[%add3A_198, %dma_wait3A_199] : memref<88x128xi32, #tpu.memory_space<vmem>> -> memref<1x128xi32, #tpu.memory_space<vmem>>
        %dma_wait3A_201 = tpu.memref_squeeze %dma_wait3A_200 : memref<1x128xi32, #tpu.memory_space<vmem>> -> memref<128xi32, #tpu.memory_space<vmem>>
        %dma_wait3A_202 = arith.constant 0 : i32
        %dma_wait3A_203 = arith.constant 0 : i32
        %dma_wait3A_204 = tpu.memref_slice %arg20[%dma_wait3A_202, %dma_wait3A_203] : memref<10240x32xf32, #tpu.memory_space<vmem_shared>> -> memref<10240x32xf32, #tpu.memory_space<vmem_shared>>
        tpu.wait_indirect_dma semaphore(%arg19 : memref<!tpu.dma_semaphore, #tpu.memory_space<semaphore_mem>>) src(%arg11 : memref<128x32xf32, #tpu.memory_space<vmem>>) dst(%dma_wait3A_204 : memref<10240x32xf32, #tpu.memory_space<vmem_shared>>)
      } else {
      }
      %mul3A_104 = arith.constant 4 : i32
      %mul3A_105 = arith.muli %mul3A_104, %scan3A_57 : i32
      %add3A_106 = arith.constant 3 : i32
      %add3A_107 = arith.addi %mul3A_105, %add3A_106 : i32
      %dma_start3A_108 = arith.constant 0 : i32
      %dma_start3A_109 = tpu.memref_slice %arg6[%add3A_107, %dma_start3A_108] : memref<88x128xi32, #tpu.memory_space<vmem>> -> memref<1x128xi32, #tpu.memory_space<vmem>>
      %dma_start3A_110 = tpu.memref_squeeze %dma_start3A_109 : memref<1x128xi32, #tpu.memory_space<vmem>> -> memref<128xi32, #tpu.memory_space<vmem>>
      %dma_start3A_111 = arith.constant 0 : i32
      %dma_start3A_112 = arith.constant 0 : i32
      %dma_start3A_113 = tpu.memref_slice %arg2[%dma_start3A_111, %dma_start3A_112] : memref<10240x32xf32, #tpu.memory_space<hbm>> -> memref<10240x32xf32, #tpu.memory_space<hbm>>
      tpu.enqueue_indirect_dma source(%dma_start3A_113 : memref<10240x32xf32, #tpu.memory_space<hbm>>) target(%arg11 : memref<128x32xf32, #tpu.memory_space<vmem>>) offsets(%dma_start3A_110 : memref<128xi32, #tpu.memory_space<vmem>>) semaphore(%arg15 : memref<!tpu.dma_semaphore, #tpu.memory_space<semaphore_mem>>)
      %mul3A_114 = arith.constant 4 : i32
      %mul3A_115 = arith.muli %mul3A_114, %scan3A_57 : i32
      %add3A_116 = arith.constant 0 : i32
      %add3A_117 = arith.addi %mul3A_115, %add3A_116 : i32
      %dma_wait3A_118 = arith.constant 0 : i32
      %dma_wait3A_119 = tpu.memref_slice %arg6[%add3A_117, %dma_wait3A_118] : memref<88x128xi32, #tpu.memory_space<vmem>> -> memref<1x128xi32, #tpu.memory_space<vmem>>
      %dma_wait3A_120 = tpu.memref_squeeze %dma_wait3A_119 : memref<1x128xi32, #tpu.memory_space<vmem>> -> memref<128xi32, #tpu.memory_space<vmem>>
      %dma_wait3A_121 = arith.constant 0 : i32
      %dma_wait3A_122 = arith.constant 0 : i32
      %dma_wait3A_123 = tpu.memref_slice %arg2[%dma_wait3A_121, %dma_wait3A_122] : memref<10240x32xf32, #tpu.memory_space<hbm>> -> memref<10240x32xf32, #tpu.memory_space<hbm>>
      tpu.wait_indirect_dma semaphore(%arg12 : memref<!tpu.dma_semaphore, #tpu.memory_space<semaphore_mem>>) src(%dma_wait3A_123 : memref<10240x32xf32, #tpu.memory_space<hbm>>) dst(%arg8 : memref<128x32xf32, #tpu.memory_space<vmem>>)
      %mul3A_124 = arith.constant 4 : i32
      %mul3A_125 = arith.muli %mul3A_124, %scan3A_57 : i32
      %add3A_126 = arith.constant 0 : i32
      %add3A_127 = arith.addi %mul3A_125, %add3A_126 : i32
      %dma_start3A_128 = arith.constant 0 : i32
      %dma_start3A_129 = tpu.memref_slice %arg7[%add3A_127, %dma_start3A_128] : memref<88x128xi32, #tpu.memory_space<vmem>> -> memref<1x128xi32, #tpu.memory_space<vmem>>
      %dma_start3A_130 = tpu.memref_squeeze %dma_start3A_129 : memref<1x128xi32, #tpu.memory_space<vmem>> -> memref<128xi32, #tpu.memory_space<vmem>>
      %dma_start3A_131 = arith.constant 0 : i32
      %dma_start3A_132 = arith.constant 0 : i32
      %dma_start3A_133 = tpu.memref_slice %arg20[%dma_start3A_131, %dma_start3A_132] : memref<10240x32xf32, #tpu.memory_space<vmem_shared>> -> memref<10240x32xf32, #tpu.memory_space<vmem_shared>>
      tpu.enqueue_indirect_dma source(%arg8 : memref<128x32xf32, #tpu.memory_space<vmem>>) target(%dma_start3A_133 : memref<10240x32xf32, #tpu.memory_space<vmem_shared>>) offsets(%dma_start3A_130 : memref<128xi32, #tpu.memory_space<vmem>>) semaphore(%arg16 : memref<!tpu.dma_semaphore, #tpu.memory_space<semaphore_mem>>) {add = true}
      %mul3A_134 = arith.constant 4 : i32
      %mul3A_135 = arith.muli %mul3A_134, %scan3A_57 : i32
      %add3A_136 = arith.constant 1 : i32
      %add3A_137 = arith.addi %mul3A_135, %add3A_136 : i32
      %dma_wait3A_138 = arith.constant 0 : i32
      %dma_wait3A_139 = tpu.memref_slice %arg6[%add3A_137, %dma_wait3A_138] : memref<88x128xi32, #tpu.memory_space<vmem>> -> memref<1x128xi32, #tpu.memory_space<vmem>>
      %dma_wait3A_140 = tpu.memref_squeeze %dma_wait3A_139 : memref<1x128xi32, #tpu.memory_space<vmem>> -> memref<128xi32, #tpu.memory_space<vmem>>
      %dma_wait3A_141 = arith.constant 0 : i32
      %dma_wait3A_142 = arith.constant 0 : i32
      %dma_wait3A_143 = tpu.memref_slice %arg2[%dma_wait3A_141, %dma_wait3A_142] : memref<10240x32xf32, #tpu.memory_space<hbm>> -> memref<10240x32xf32, #tpu.memory_space<hbm>>
      tpu.wait_indirect_dma semaphore(%arg13 : memref<!tpu.dma_semaphore, #tpu.memory_space<semaphore_mem>>) src(%dma_wait3A_143 : memref<10240x32xf32, #tpu.memory_space<hbm>>) dst(%arg9 : memref<128x32xf32, #tpu.memory_space<vmem>>)
      %mul3A_144 = arith.constant 4 : i32
      %mul3A_145 = arith.muli %mul3A_144, %scan3A_57 : i32
      %add3A_146 = arith.constant 1 : i32
      %add3A_147 = arith.addi %mul3A_145, %add3A_146 : i32
      %dma_start3A_148 = arith.constant 0 : i32
      %dma_start3A_149 = tpu.memref_slice %arg7[%add3A_147, %dma_start3A_148] : memref<88x128xi32, #tpu.memory_space<vmem>> -> memref<1x128xi32, #tpu.memory_space<vmem>>
      %dma_start3A_150 = tpu.memref_squeeze %dma_start3A_149 : memref<1x128xi32, #tpu.memory_space<vmem>> -> memref<128xi32, #tpu.memory_space<vmem>>
      %dma_start3A_151 = arith.constant 0 : i32
      %dma_start3A_152 = arith.constant 0 : i32
      %dma_start3A_153 = tpu.memref_slice %arg20[%dma_start3A_151, %dma_start3A_152] : memref<10240x32xf32, #tpu.memory_space<vmem_shared>> -> memref<10240x32xf32, #tpu.memory_space<vmem_shared>>
      tpu.enqueue_indirect_dma source(%arg9 : memref<128x32xf32, #tpu.memory_space<vmem>>) target(%dma_start3A_153 : memref<10240x32xf32, #tpu.memory_space<vmem_shared>>) offsets(%dma_start3A_150 : memref<128xi32, #tpu.memory_space<vmem>>) semaphore(%arg17 : memref<!tpu.dma_semaphore, #tpu.memory_space<semaphore_mem>>) {add = true}
      %mul3A_154 = arith.constant 4 : i32
      %mul3A_155 = arith.muli %mul3A_154, %scan3A_57 : i32
      %add3A_156 = arith.constant 2 : i32
      %add3A_157 = arith.addi %mul3A_155, %add3A_156 : i32
      %dma_wait3A_158 = arith.constant 0 : i32
      %dma_wait3A_159 = tpu.memref_slice %arg6[%add3A_157, %dma_wait3A_158] : memref<88x128xi32, #tpu.memory_space<vmem>> -> memref<1x128xi32, #tpu.memory_space<vmem>>
      %dma_wait3A_160 = tpu.memref_squeeze %dma_wait3A_159 : memref<1x128xi32, #tpu.memory_space<vmem>> -> memref<128xi32, #tpu.memory_space<vmem>>
      %dma_wait3A_161 = arith.constant 0 : i32
      %dma_wait3A_162 = arith.constant 0 : i32
      %dma_wait3A_163 = tpu.memref_slice %arg2[%dma_wait3A_161, %dma_wait3A_162] : memref<10240x32xf32, #tpu.memory_space<hbm>> -> memref<10240x32xf32, #tpu.memory_space<hbm>>
      tpu.wait_indirect_dma semaphore(%arg14 : memref<!tpu.dma_semaphore, #tpu.memory_space<semaphore_mem>>) src(%dma_wait3A_163 : memref<10240x32xf32, #tpu.memory_space<hbm>>) dst(%arg10 : memref<128x32xf32, #tpu.memory_space<vmem>>)
      %mul3A_164 = arith.constant 4 : i32
      %mul3A_165 = arith.muli %mul3A_164, %scan3A_57 : i32
      %add3A_166 = arith.constant 2 : i32
      %add3A_167 = arith.addi %mul3A_165, %add3A_166 : i32
      %dma_start3A_168 = arith.constant 0 : i32
      %dma_start3A_169 = tpu.memref_slice %arg7[%add3A_167, %dma_start3A_168] : memref<88x128xi32, #tpu.memory_space<vmem>> -> memref<1x128xi32, #tpu.memory_space<vmem>>
      %dma_start3A_170 = tpu.memref_squeeze %dma_start3A_169 : memref<1x128xi32, #tpu.memory_space<vmem>> -> memref<128xi32, #tpu.memory_space<vmem>>
      %dma_start3A_171 = arith.constant 0 : i32
      %dma_start3A_172 = arith.constant 0 : i32
      %dma_start3A_173 = tpu.memref_slice %arg20[%dma_start3A_171, %dma_start3A_172] : memref<10240x32xf32, #tpu.memory_space<vmem_shared>> -> memref<10240x32xf32, #tpu.memory_space<vmem_shared>>
      tpu.enqueue_indirect_dma source(%arg10 : memref<128x32xf32, #tpu.memory_space<vmem>>) target(%dma_start3A_173 : memref<10240x32xf32, #tpu.memory_space<vmem_shared>>) offsets(%dma_start3A_170 : memref<128xi32, #tpu.memory_space<vmem>>) semaphore(%arg18 : memref<!tpu.dma_semaphore, #tpu.memory_space<semaphore_mem>>) {add = true}
      %mul3A_174 = arith.constant 4 : i32
      %mul3A_175 = arith.muli %mul3A_174, %scan3A_57 : i32
      %add3A_176 = arith.constant 3 : i32
      %add3A_177 = arith.addi %mul3A_175, %add3A_176 : i32
      %dma_wait3A_178 = arith.constant 0 : i32
      %dma_wait3A_179 = tpu.memref_slice %arg6[%add3A_177, %dma_wait3A_178] : memref<88x128xi32, #tpu.memory_space<vmem>> -> memref<1x128xi32, #tpu.memory_space<vmem>>
      %dma_wait3A_180 = tpu.memref_squeeze %dma_wait3A_179 : memref<1x128xi32, #tpu.memory_space<vmem>> -> memref<128xi32, #tpu.memory_space<vmem>>
      %dma_wait3A_181 = arith.constant 0 : i32
      %dma_wait3A_182 = arith.constant 0 : i32
      %dma_wait3A_183 = tpu.memref_slice %arg2[%dma_wait3A_181, %dma_wait3A_182] : memref<10240x32xf32, #tpu.memory_space<hbm>> -> memref<10240x32xf32, #tpu.memory_space<hbm>>
      tpu.wait_indirect_dma semaphore(%arg15 : memref<!tpu.dma_semaphore, #tpu.memory_space<semaphore_mem>>) src(%dma_wait3A_183 : memref<10240x32xf32, #tpu.memory_space<hbm>>) dst(%arg11 : memref<128x32xf32, #tpu.memory_space<vmem>>)
      %mul3A_184 = arith.constant 4 : i32
      %mul3A_185 = arith.muli %mul3A_184, %scan3A_57 : i32
      %add3A_186 = arith.constant 3 : i32
      %add3A_187 = arith.addi %mul3A_185, %add3A_186 : i32
      %dma_start3A_188 = arith.constant 0 : i32
      %dma_start3A_189 = tpu.memref_slice %arg7[%add3A_187, %dma_start3A_188] : memref<88x128xi32, #tpu.memory_space<vmem>> -> memref<1x128xi32, #tpu.memory_space<vmem>>
      %dma_start3A_190 = tpu.memref_squeeze %dma_start3A_189 : memref<1x128xi32, #tpu.memory_space<vmem>> -> memref<128xi32, #tpu.memory_space<vmem>>
      %dma_start3A_191 = arith.constant 0 : i32
      %dma_start3A_192 = arith.constant 0 : i32
      %dma_start3A_193 = tpu.memref_slice %arg20[%dma_start3A_191, %dma_start3A_192] : memref<10240x32xf32, #tpu.memory_space<vmem_shared>> -> memref<10240x32xf32, #tpu.memory_space<vmem_shared>>
      tpu.enqueue_indirect_dma source(%arg11 : memref<128x32xf32, #tpu.memory_space<vmem>>) target(%dma_start3A_193 : memref<10240x32xf32, #tpu.memory_space<vmem_shared>>) offsets(%dma_start3A_190 : memref<128xi32, #tpu.memory_space<vmem>>) semaphore(%arg19 : memref<!tpu.dma_semaphore, #tpu.memory_space<semaphore_mem>>) {add = true}
    }
    %scan3A_22 = arith.constant 22 : i32
    %dma_wait3A = arith.constant 84 : i32
    %dma_wait3A_23 = arith.constant 0 : i32
    %dma_wait3A_24 = tpu.memref_slice %arg7[%dma_wait3A, %dma_wait3A_23] : memref<88x128xi32, #tpu.memory_space<vmem>> -> memref<1x128xi32, #tpu.memory_space<vmem>>
    %dma_wait3A_25 = tpu.memref_squeeze %dma_wait3A_24 : memref<1x128xi32, #tpu.memory_space<vmem>> -> memref<128xi32, #tpu.memory_space<vmem>>
    %dma_wait3A_26 = arith.constant 0 : i32
    %dma_wait3A_27 = arith.constant 0 : i32
    %dma_wait3A_28 = tpu.memref_slice %arg20[%dma_wait3A_26, %dma_wait3A_27] : memref<10240x32xf32, #tpu.memory_space<vmem_shared>> -> memref<10240x32xf32, #tpu.memory_space<vmem_shared>>
    tpu.wait_indirect_dma semaphore(%arg16 : memref<!tpu.dma_semaphore, #tpu.memory_space<semaphore_mem>>) src(%arg8 : memref<128x32xf32, #tpu.memory_space<vmem>>) dst(%dma_wait3A_28 : memref<10240x32xf32, #tpu.memory_space<vmem_shared>>)
    %dma_wait3A_29 = arith.constant 85 : i32
    %dma_wait3A_30 = arith.constant 0 : i32
    %dma_wait3A_31 = tpu.memref_slice %arg7[%dma_wait3A_29, %dma_wait3A_30] : memref<88x128xi32, #tpu.memory_space<vmem>> -> memref<1x128xi32, #tpu.memory_space<vmem>>
    %dma_wait3A_32 = tpu.memref_squeeze %dma_wait3A_31 : memref<1x128xi32, #tpu.memory_space<vmem>> -> memref<128xi32, #tpu.memory_space<vmem>>
    %dma_wait3A_33 = arith.constant 0 : i32
    %dma_wait3A_34 = arith.constant 0 : i32
    %dma_wait3A_35 = tpu.memref_slice %arg20[%dma_wait3A_33, %dma_wait3A_34] : memref<10240x32xf32, #tpu.memory_space<vmem_shared>> -> memref<10240x32xf32, #tpu.memory_space<vmem_shared>>
    tpu.wait_indirect_dma semaphore(%arg17 : memref<!tpu.dma_semaphore, #tpu.memory_space<semaphore_mem>>) src(%arg9 : memref<128x32xf32, #tpu.memory_space<vmem>>) dst(%dma_wait3A_35 : memref<10240x32xf32, #tpu.memory_space<vmem_shared>>)
    %dma_wait3A_36 = arith.constant 86 : i32
    %dma_wait3A_37 = arith.constant 0 : i32
    %dma_wait3A_38 = tpu.memref_slice %arg7[%dma_wait3A_36, %dma_wait3A_37] : memref<88x128xi32, #tpu.memory_space<vmem>> -> memref<1x128xi32, #tpu.memory_space<vmem>>
    %dma_wait3A_39 = tpu.memref_squeeze %dma_wait3A_38 : memref<1x128xi32, #tpu.memory_space<vmem>> -> memref<128xi32, #tpu.memory_space<vmem>>
    %dma_wait3A_40 = arith.constant 0 : i32
    %dma_wait3A_41 = arith.constant 0 : i32
    %dma_wait3A_42 = tpu.memref_slice %arg20[%dma_wait3A_40, %dma_wait3A_41] : memref<10240x32xf32, #tpu.memory_space<vmem_shared>> -> memref<10240x32xf32, #tpu.memory_space<vmem_shared>>
    tpu.wait_indirect_dma semaphore(%arg18 : memref<!tpu.dma_semaphore, #tpu.memory_space<semaphore_mem>>) src(%arg10 : memref<128x32xf32, #tpu.memory_space<vmem>>) dst(%dma_wait3A_42 : memref<10240x32xf32, #tpu.memory_space<vmem_shared>>)
    %dma_wait3A_43 = arith.constant 87 : i32
    %dma_wait3A_44 = arith.constant 0 : i32
    %dma_wait3A_45 = tpu.memref_slice %arg7[%dma_wait3A_43, %dma_wait3A_44] : memref<88x128xi32, #tpu.memory_space<vmem>> -> memref<1x128xi32, #tpu.memory_space<vmem>>
    %dma_wait3A_46 = tpu.memref_squeeze %dma_wait3A_45 : memref<1x128xi32, #tpu.memory_space<vmem>> -> memref<128xi32, #tpu.memory_space<vmem>>
    %dma_wait3A_47 = arith.constant 0 : i32
    %dma_wait3A_48 = arith.constant 0 : i32
    %dma_wait3A_49 = tpu.memref_slice %arg20[%dma_wait3A_47, %dma_wait3A_48] : memref<10240x32xf32, #tpu.memory_space<vmem_shared>> -> memref<10240x32xf32, #tpu.memory_space<vmem_shared>>
    tpu.wait_indirect_dma semaphore(%arg19 : memref<!tpu.dma_semaphore, #tpu.memory_space<semaphore_mem>>) src(%arg11 : memref<128x32xf32, #tpu.memory_space<vmem>>) dst(%dma_wait3A_49 : memref<10240x32xf32, #tpu.memory_space<vmem_shared>>)
    %barrier3A_50 = arith.constant 0 : index
    tpu.barrier barrier_id(%barrier3A_50)
    %scan3A_51 = arith.constant 0 : i32
    %scan3A_52 = arith.constant 0 : i32
    %scan3A_53 = arith.constant 5 : i32
    %scan3A_54 = arith.addi %scan3A_52, %scan3A_53 : i32
    %scan3A_55 = arith.constant 1 : i32
    scf.for %scan3A_57 = %scan3A_52 to %scan3A_54 step %scan3A_55  : i32 {
      %mul3A_58 = arith.constant 640 : i32
      %mul3A_59 = arith.muli %arg1, %mul3A_58 : i32
      %mul3A_60 = arith.constant 128 : i32
      %mul3A_61 = arith.muli %scan3A_57, %mul3A_60 : i32
      %add3A_62 = arith.addi %mul3A_59, %mul3A_61 : i32
      "tpu.region"() ({
        %run_scoped3A = tpu.sem_alloc : memref<!tpu.dma_semaphore, #tpu.memory_space<semaphore_mem>>
        %dma_start3A = arith.constant 0 : i32
        %dma_start3A_68 = tpu.memref_slice %arg20[%add3A_62, %dma_start3A] : memref<10240x32xf32, #tpu.memory_space<vmem_shared>> -> memref<128x32xf32, #tpu.memory_space<vmem_shared>>
        %dma_start3A_69 = arith.constant 0 : i32
        %dma_start3A_70 = tpu.memref_slice %arg20[%add3A_62, %dma_start3A_69] : memref<10240x32xf32, #tpu.memory_space<vmem_shared>> -> memref<128x32xf32, #tpu.memory_space<vmem_shared>>
        tpu.enqueue_dma source(%dma_start3A_70 : memref<128x32xf32, #tpu.memory_space<vmem_shared>>) target(%arg8 : memref<128x32xf32, #tpu.memory_space<vmem>>) target_semaphore(%run_scoped3A : memref<!tpu.dma_semaphore, #tpu.memory_space<semaphore_mem>>)
        %dma_wait3A_71 = arith.constant 0 : i32
        %dma_wait3A_72 = tpu.memref_slice %arg20[%add3A_62, %dma_wait3A_71] : memref<10240x32xf32, #tpu.memory_space<vmem_shared>> -> memref<128x32xf32, #tpu.memory_space<vmem_shared>>
        %dma_wait3A_73 = arith.constant 0 : i32
        %dma_wait3A_74 = tpu.memref_slice %arg20[%add3A_62, %dma_wait3A_73] : memref<10240x32xf32, #tpu.memory_space<vmem_shared>> -> memref<128x32xf32, #tpu.memory_space<vmem_shared>>
        tpu.wait_dma2 semaphore(%run_scoped3A : memref<!tpu.dma_semaphore, #tpu.memory_space<semaphore_mem>>) src(%dma_wait3A_74 : memref<128x32xf32, #tpu.memory_space<vmem_shared>>) dst(%arg8 : memref<128x32xf32, #tpu.memory_space<vmem>>)
        tpu.yield
      }) : () -> ()
      %mul3A_63 = arith.constant 640 : i32
      %mul3A_64 = arith.muli %arg1, %mul3A_63 : i32
      %mul3A_65 = arith.constant 128 : i32
      %mul3A_66 = arith.muli %scan3A_57, %mul3A_65 : i32
      %add3A_67 = arith.addi %mul3A_64, %mul3A_66 : i32
      "tpu.region"() ({
        %run_scoped3A = tpu.sem_alloc : memref<!tpu.dma_semaphore, #tpu.memory_space<semaphore_mem>>
        %dma_start3A = arith.constant 0 : i32
        %dma_start3A_68 = tpu.memref_slice %arg5[%arg0, %add3A_67, %dma_start3A] : memref<2x10240x32xf32, #tpu.memory_space<hbm>> -> memref<1x128x32xf32, #tpu.memory_space<hbm>>
        %dma_start3A_69 = tpu.memref_squeeze %dma_start3A_68 : memref<1x128x32xf32, #tpu.memory_space<hbm>> -> memref<128x32xf32, #tpu.memory_space<hbm>>
        %dma_start3A_70 = arith.constant 0 : i32
        %dma_start3A_71 = tpu.memref_slice %arg5[%arg0, %add3A_67, %dma_start3A_70] : memref<2x10240x32xf32, #tpu.memory_space<hbm>> -> memref<1x128x32xf32, #tpu.memory_space<hbm>>
        %dma_start3A_72 = tpu.memref_squeeze %dma_start3A_71 : memref<1x128x32xf32, #tpu.memory_space<hbm>> -> memref<128x32xf32, #tpu.memory_space<hbm>>
        tpu.enqueue_dma source(%arg8 : memref<128x32xf32, #tpu.memory_space<vmem>>) target(%dma_start3A_72 : memref<128x32xf32, #tpu.memory_space<hbm>>) target_semaphore(%run_scoped3A : memref<!tpu.dma_semaphore, #tpu.memory_space<semaphore_mem>>)
        %dma_wait3A_73 = arith.constant 0 : i32
        %dma_wait3A_74 = tpu.memref_slice %arg5[%arg0, %add3A_67, %dma_wait3A_73] : memref<2x10240x32xf32, #tpu.memory_space<hbm>> -> memref<1x128x32xf32, #tpu.memory_space<hbm>>
        %dma_wait3A_75 = tpu.memref_squeeze %dma_wait3A_74 : memref<1x128x32xf32, #tpu.memory_space<hbm>> -> memref<128x32xf32, #tpu.memory_space<hbm>>
        %dma_wait3A_76 = arith.constant 0 : i32
        %dma_wait3A_77 = tpu.memref_slice %arg5[%arg0, %add3A_67, %dma_wait3A_76] : memref<2x10240x32xf32, #tpu.memory_space<hbm>> -> memref<1x128x32xf32, #tpu.memory_space<hbm>>
        %dma_wait3A_78 = tpu.memref_squeeze %dma_wait3A_77 : memref<1x128x32xf32, #tpu.memory_space<hbm>> -> memref<128x32xf32, #tpu.memory_space<hbm>>
        tpu.wait_dma2 semaphore(%run_scoped3A : memref<!tpu.dma_semaphore, #tpu.memory_space<semaphore_mem>>) src(%arg8 : memref<128x32xf32, #tpu.memory_space<vmem>>) dst(%dma_wait3A_78 : memref<128x32xf32, #tpu.memory_space<hbm>>)
        tpu.yield
      }) : () -> ()
    }
    %scan3A_56 = arith.constant 5 : i32
    return
  }
}

#map = affine_map<(d0, d1) -> (0)>
#map1 = affine_map<(d0, d1) -> (0, 0)>
module attributes {stable_mosaic.version = 14 : i64} {
  func.func @k(%arg0: i32, %arg1: i32, %arg2: memref<360448xi32, #tpu.memory_space<hbm>>, %arg3: memref<32x10240xf32, #tpu.memory_space<hbm>>, %arg4: memref<11264xi32, #tpu.memory_space<vmem>>, %arg5: memref<10240xf32, #tpu.memory_space<vmem>>) attributes {dimension_semantics = [#tpu.dimension_semantics<core_parallel>, #tpu.dimension_semantics<subcore_parallel>], iteration_bounds = array<i64: 2, 16>, scalar_prefetch = 0 : i64, scratch_operands = 2 : i64, tpu.core_type = #tpu.core_type<sc_vector_subcore>, window_params = [{transform_indices = #map}, {transform_indices = #map1}]} {
    %mul3A = arith.constant 2 : i32
    %mul3A_0 = arith.muli %arg1, %mul3A : i32
    %add3A = arith.addi %mul3A_0, %arg0 : i32
    %broadcast_in_dim3A = arith.constant 0.000000e+00 : f32
    %broadcast_in_dim3A_1 = vector.broadcast %broadcast_in_dim3A : f32 to vector<16xf32>
    %scan3A = arith.constant 0 : i32
    %scan3A_2 = arith.constant 0 : i32
    %scan3A_3 = arith.constant 640 : i32
    %scan3A_4 = arith.addi %scan3A_2, %scan3A_3 : i32
    %scan3A_5 = arith.constant 1 : i32
    scf.for %scan3A_17 = %scan3A_2 to %scan3A_4 step %scan3A_5  : i32 {
      %mul3A_18 = arith.constant 16 : i32
      %mul3A_19 = arith.muli %scan3A_17, %mul3A_18 : i32
      %swap3A = arith.index_cast %mul3A_19 : i32 to index
      %swap3A_20 = tpu.vector_load %arg5[%swap3A] {strides = array<i32>} : memref<10240xf32, #tpu.memory_space<vmem>>, vector<16xf32>,
      tpu.vector_store %arg5[%swap3A], %broadcast_in_dim3A_1 {strides = array<i32>} : memref<10240xf32, #tpu.memory_space<vmem>>, vector<16xf32>,
    }
    %scan3A_6 = arith.constant 640 : i32
    %mul3A_7 = arith.constant 11264 : i32
    %mul3A_8 = arith.muli %add3A, %mul3A_7 : i32
    "tpu.region"() ({
      %run_scoped3A = tpu.sem_alloc : memref<!tpu.dma_semaphore, #tpu.memory_space<semaphore_mem>>
      %dma_start3A = tpu.memref_slice %arg2[%mul3A_8] : memref<360448xi32, #tpu.memory_space<hbm>> -> memref<11264xi32, #tpu.memory_space<hbm>>
      %dma_start3A_17 = tpu.memref_slice %arg2[%mul3A_8] : memref<360448xi32, #tpu.memory_space<hbm>> -> memref<11264xi32, #tpu.memory_space<hbm>>
      tpu.enqueue_dma source(%dma_start3A_17 : memref<11264xi32, #tpu.memory_space<hbm>>) target(%arg4 : memref<11264xi32, #tpu.memory_space<vmem>>) target_semaphore(%run_scoped3A : memref<!tpu.dma_semaphore, #tpu.memory_space<semaphore_mem>>)
      %dma_wait3A = tpu.memref_slice %arg2[%mul3A_8] : memref<360448xi32, #tpu.memory_space<hbm>> -> memref<11264xi32, #tpu.memory_space<hbm>>
      %dma_wait3A_18 = tpu.memref_slice %arg2[%mul3A_8] : memref<360448xi32, #tpu.memory_space<hbm>> -> memref<11264xi32, #tpu.memory_space<hbm>>
      tpu.wait_dma2 semaphore(%run_scoped3A : memref<!tpu.dma_semaphore, #tpu.memory_space<semaphore_mem>>) src(%dma_wait3A_18 : memref<11264xi32, #tpu.memory_space<hbm>>) dst(%arg4 : memref<11264xi32, #tpu.memory_space<vmem>>)
      tpu.yield
    }) : () -> ()
    %broadcast_in_dim3A_9 = arith.constant 1.000000e+00 : f32
    %broadcast_in_dim3A_10 = vector.broadcast %broadcast_in_dim3A_9 : f32 to vector<16xf32>
    %scan3A_11 = arith.constant 0 : i32
    %scan3A_12 = arith.constant 0 : i32
    %scan3A_13 = arith.constant 704 : i32
    %scan3A_14 = arith.addi %scan3A_12, %scan3A_13 : i32
    %scan3A_15 = arith.constant 1 : i32
    scf.for %scan3A_17 = %scan3A_12 to %scan3A_14 step %scan3A_15  : i32 {
      %mul3A_18 = arith.constant 16 : i32
      %mul3A_19 = arith.muli %scan3A_17, %mul3A_18 : i32
      %get3A = arith.index_cast %mul3A_19 : i32 to index
      %get3A_20 = tpu.vector_load %arg4[%get3A] {strides = array<i32>} : memref<11264xi32, #tpu.memory_space<vmem>>, vector<16xi32>,
      tpu.vector_store_idx %arg5[%get3A_20], %broadcast_in_dim3A_10 {add = true} : memref<10240xf32, #tpu.memory_space<vmem>>[vector<16xi32>], vector<16xf32>,
    }
    %scan3A_16 = arith.constant 704 : i32
    "tpu.region"() ({
      %run_scoped3A = tpu.sem_alloc : memref<!tpu.dma_semaphore, #tpu.memory_space<semaphore_mem>>
      %dma_start3A = arith.constant 0 : i32
      %dma_start3A_17 = tpu.memref_slice %arg3[%add3A, %dma_start3A] : memref<32x10240xf32, #tpu.memory_space<hbm>> -> memref<1x10240xf32, #tpu.memory_space<hbm>>
      %dma_start3A_18 = tpu.memref_squeeze %dma_start3A_17 : memref<1x10240xf32, #tpu.memory_space<hbm>> -> memref<10240xf32, #tpu.memory_space<hbm>>
      %dma_start3A_19 = arith.constant 0 : i32
      %dma_start3A_20 = tpu.memref_slice %arg3[%add3A, %dma_start3A_19] : memref<32x10240xf32, #tpu.memory_space<hbm>> -> memref<1x10240xf32, #tpu.memory_space<hbm>>
      %dma_start3A_21 = tpu.memref_squeeze %dma_start3A_20 : memref<1x10240xf32, #tpu.memory_space<hbm>> -> memref<10240xf32, #tpu.memory_space<hbm>>
      tpu.enqueue_dma source(%arg5 : memref<10240xf32, #tpu.memory_space<vmem>>) target(%dma_start3A_21 : memref<10240xf32, #tpu.memory_space<hbm>>) target_semaphore(%run_scoped3A : memref<!tpu.dma_semaphore, #tpu.memory_space<semaphore_mem>>)
      %dma_wait3A = arith.constant 0 : i32
      %dma_wait3A_22 = tpu.memref_slice %arg3[%add3A, %dma_wait3A] : memref<32x10240xf32, #tpu.memory_space<hbm>> -> memref<1x10240xf32, #tpu.memory_space<hbm>>
      %dma_wait3A_23 = tpu.memref_squeeze %dma_wait3A_22 : memref<1x10240xf32, #tpu.memory_space<hbm>> -> memref<10240xf32, #tpu.memory_space<hbm>>
      %dma_wait3A_24 = arith.constant 0 : i32
      %dma_wait3A_25 = tpu.memref_slice %arg3[%add3A, %dma_wait3A_24] : memref<32x10240xf32, #tpu.memory_space<hbm>> -> memref<1x10240xf32, #tpu.memory_space<hbm>>
      %dma_wait3A_26 = tpu.memref_squeeze %dma_wait3A_25 : memref<1x10240xf32, #tpu.memory_space<hbm>> -> memref<10240xf32, #tpu.memory_space<hbm>>
      tpu.wait_dma2 semaphore(%run_scoped3A : memref<!tpu.dma_semaphore, #tpu.memory_space<semaphore_mem>>) src(%arg5 : memref<10240xf32, #tpu.memory_space<vmem>>) dst(%dma_wait3A_26 : memref<10240xf32, #tpu.memory_space<hbm>>)
      tpu.yield
    }) : () -> ()
    return
  }
}

#map = affine_map<(d0, d1) -> (0, 0)>
#map1 = affine_map<(d0, d1) -> (0, 0, 0)>
module attributes {stable_mosaic.version = 14 : i64} {
  func.func @k(%arg0: i32, %arg1: i32, %arg2: memref<10240x32xf32, #tpu.memory_space<hbm>>, %arg3: memref<2816x128xi32, #tpu.memory_space<hbm>>, %arg4: memref<2816x128xi32, #tpu.memory_space<hbm>>, %arg5: memref<2x10240x32xf32, #tpu.memory_space<hbm>>, %arg6: memref<88x128xi32, #tpu.memory_space<vmem>>, %arg7: memref<88x128xi32, #tpu.memory_space<vmem>>, %arg8: memref<128x32xf32, #tpu.memory_space<vmem>>, %arg9: memref<128x32xf32, #tpu.memory_space<vmem>>, %arg10: memref<128x32xf32, #tpu.memory_space<vmem>>, %arg11: memref<128x32xf32, #tpu.memory_space<vmem>>, %arg12: memref<!tpu.dma_semaphore, #tpu.memory_space<semaphore_mem>>, %arg13: memref<!tpu.dma_semaphore, #tpu.memory_space<semaphore_mem>>, %arg14: memref<!tpu.dma_semaphore, #tpu.memory_space<semaphore_mem>>, %arg15: memref<!tpu.dma_semaphore, #tpu.memory_space<semaphore_mem>>, %arg16: memref<!tpu.dma_semaphore, #tpu.memory_space<semaphore_mem>>, %arg17: memref<!tpu.dma_semaphore, #tpu.memory_space<semaphore_mem>>, %arg18: memref<!tpu.dma_semaphore, #tpu.memory_space<semaphore_mem>>, %arg19: memref<!tpu.dma_semaphore, #tpu.memory_space<semaphore_mem>>, %arg20: memref<10240x32xf32, #tpu.memory_space<vmem_shared>>) attributes {dimension_semantics = [#tpu.dimension_semantics<core_parallel>, #tpu.dimension_semantics<subcore_parallel>], iteration_bounds = array<i64: 2, 16>, scalar_prefetch = 0 : i64, scratch_operands = 15 : i64, tpu.core_type = #tpu.core_type<sc_vector_subcore>, window_params = [{transform_indices = #map}, {transform_indices = #map}, {transform_indices = #map}, {transform_indices = #map1}]} {
    %mul3A = arith.constant 2 : i32
    %mul3A_0 = arith.muli %arg1, %mul3A : i32
    %add3A = arith.addi %mul3A_0, %arg0 : i32
    %mul3A_1 = arith.constant 88 : i32
    %mul3A_2 = arith.muli %add3A, %mul3A_1 : i32
    "tpu.region"() ({
      %run_scoped3A = tpu.sem_alloc : memref<!tpu.dma_semaphore, #tpu.memory_space<semaphore_mem>>
      %dma_start3A = arith.constant 0 : i32
      %dma_start3A_57 = tpu.memref_slice %arg3[%mul3A_2, %dma_start3A] : memref<2816x128xi32, #tpu.memory_space<hbm>> -> memref<88x128xi32, #tpu.memory_space<hbm>>
      %dma_start3A_58 = arith.constant 0 : i32
      %dma_start3A_59 = tpu.memref_slice %arg3[%mul3A_2, %dma_start3A_58] : memref<2816x128xi32, #tpu.memory_space<hbm>> -> memref<88x128xi32, #tpu.memory_space<hbm>>
      tpu.enqueue_dma source(%dma_start3A_59 : memref<88x128xi32, #tpu.memory_space<hbm>>) target(%arg6 : memref<88x128xi32, #tpu.memory_space<vmem>>) target_semaphore(%run_scoped3A : memref<!tpu.dma_semaphore, #tpu.memory_space<semaphore_mem>>)
      %dma_wait3A_60 = arith.constant 0 : i32
      %dma_wait3A_61 = tpu.memref_slice %arg3[%mul3A_2, %dma_wait3A_60] : memref<2816x128xi32, #tpu.memory_space<hbm>> -> memref<88x128xi32, #tpu.memory_space<hbm>>
      %dma_wait3A_62 = arith.constant 0 : i32
      %dma_wait3A_63 = tpu.memref_slice %arg3[%mul3A_2, %dma_wait3A_62] : memref<2816x128xi32, #tpu.memory_space<hbm>> -> memref<88x128xi32, #tpu.memory_space<hbm>>
      tpu.wait_dma2 semaphore(%run_scoped3A : memref<!tpu.dma_semaphore, #tpu.memory_space<semaphore_mem>>) src(%dma_wait3A_63 : memref<88x128xi32, #tpu.memory_space<hbm>>) dst(%arg6 : memref<88x128xi32, #tpu.memory_space<vmem>>)
      tpu.yield
    }) : () -> ()
    %mul3A_3 = arith.constant 88 : i32
    %mul3A_4 = arith.muli %add3A, %mul3A_3 : i32
    "tpu.region"() ({
      %run_scoped3A = tpu.sem_alloc : memref<!tpu.dma_semaphore, #tpu.memory_space<semaphore_mem>>
      %dma_start3A = arith.constant 0 : i32
      %dma_start3A_57 = tpu.memref_slice %arg4[%mul3A_4, %dma_start3A] : memref<2816x128xi32, #tpu.memory_space<hbm>> -> memref<88x128xi32, #tpu.memory_space<hbm>>
      %dma_start3A_58 = arith.constant 0 : i32
      %dma_start3A_59 = tpu.memref_slice %arg4[%mul3A_4, %dma_start3A_58] : memref<2816x128xi32, #tpu.memory_space<hbm>> -> memref<88x128xi32, #tpu.memory_space<hbm>>
      tpu.enqueue_dma source(%dma_start3A_59 : memref<88x128xi32, #tpu.memory_space<hbm>>) target(%arg7 : memref<88x128xi32, #tpu.memory_space<vmem>>) target_semaphore(%run_scoped3A : memref<!tpu.dma_semaphore, #tpu.memory_space<semaphore_mem>>)
      %dma_wait3A_60 = arith.constant 0 : i32
      %dma_wait3A_61 = tpu.memref_slice %arg4[%mul3A_4, %dma_wait3A_60] : memref<2816x128xi32, #tpu.memory_space<hbm>> -> memref<88x128xi32, #tpu.memory_space<hbm>>
      %dma_wait3A_62 = arith.constant 0 : i32
      %dma_wait3A_63 = tpu.memref_slice %arg4[%mul3A_4, %dma_wait3A_62] : memref<2816x128xi32, #tpu.memory_space<hbm>> -> memref<88x128xi32, #tpu.memory_space<hbm>>
      tpu.wait_dma2 semaphore(%run_scoped3A : memref<!tpu.dma_semaphore, #tpu.memory_space<semaphore_mem>>) src(%dma_wait3A_63 : memref<88x128xi32, #tpu.memory_space<hbm>>) dst(%arg7 : memref<88x128xi32, #tpu.memory_space<vmem>>)
      tpu.yield
    }) : () -> ()
    %broadcast_in_dim3A = arith.constant 0.000000e+00 : f32
    %broadcast_in_dim3A_5 = vector.broadcast %broadcast_in_dim3A : f32 to vector<16xf32>
    %scan3A = arith.constant 0 : i32
    %scan3A_6 = arith.constant 0 : i32
    %scan3A_7 = arith.constant 128 : i32
    %scan3A_8 = arith.addi %scan3A_6, %scan3A_7 : i32
    %scan3A_9 = arith.constant 1 : i32
    scf.for %scan3A_57 = %scan3A_6 to %scan3A_8 step %scan3A_9  : i32 {
      %swap3A = arith.index_cast %scan3A_57 : i32 to index
      %swap3A_58 = arith.constant 0 : index
      %swap3A_59 = tpu.vector_load %arg8[%swap3A, %swap3A_58] {strides = array<i32>} : memref<128x32xf32, #tpu.memory_space<vmem>>, vector<1x16xf32>,
      %swap3A_60 = vector.shape_cast %swap3A_59 : vector<1x16xf32> to vector<16xf32>
      %swap3A_61 = vector.shape_cast %broadcast_in_dim3A_5 : vector<16xf32> to vector<1x16xf32>
      tpu.vector_store %arg8[%swap3A, %swap3A_58], %swap3A_61 {strides = array<i32>} : memref<128x32xf32, #tpu.memory_space<vmem>>, vector<1x16xf32>,
      %swap3A_62 = arith.index_cast %scan3A_57 : i32 to index
      %swap3A_63 = arith.constant 16 : index
      %swap3A_64 = tpu.vector_load %arg8[%swap3A_62, %swap3A_63] {strides = array<i32>} : memref<128x32xf32, #tpu.memory_space<vmem>>, vector<1x16xf32>,
      %swap3A_65 = vector.shape_cast %swap3A_64 : vector<1x16xf32> to vector<16xf32>
      %swap3A_66 = vector.shape_cast %broadcast_in_dim3A_5 : vector<16xf32> to vector<1x16xf32>
      tpu.vector_store %arg8[%swap3A_62, %swap3A_63], %swap3A_66 {strides = array<i32>} : memref<128x32xf32, #tpu.memory_space<vmem>>, vector<1x16xf32>,
    }
    %scan3A_10 = arith.constant 128 : i32
    %scan3A_11 = arith.constant 0 : i32
    %scan3A_12 = arith.constant 0 : i32
    %scan3A_13 = arith.constant 5 : i32
    %scan3A_14 = arith.addi %scan3A_12, %scan3A_13 : i32
    %scan3A_15 = arith.constant 1 : i32
    scf.for %scan3A_57 = %scan3A_12 to %scan3A_14 step %scan3A_15  : i32 {
      %mul3A_58 = arith.constant 640 : i32
      %mul3A_59 = arith.muli %arg1, %mul3A_58 : i32
      %mul3A_60 = arith.constant 128 : i32
      %mul3A_61 = arith.muli %scan3A_57, %mul3A_60 : i32
      %add3A_62 = arith.addi %mul3A_59, %mul3A_61 : i32
      "tpu.region"() ({
        %run_scoped3A = tpu.sem_alloc : memref<!tpu.dma_semaphore, #tpu.memory_space<semaphore_mem>>
        %dma_start3A = arith.constant 0 : i32
        %dma_start3A_63 = tpu.memref_slice %arg20[%add3A_62, %dma_start3A] : memref<10240x32xf32, #tpu.memory_space<vmem_shared>> -> memref<128x32xf32, #tpu.memory_space<vmem_shared>>
        %dma_start3A_64 = arith.constant 0 : i32
        %dma_start3A_65 = tpu.memref_slice %arg20[%add3A_62, %dma_start3A_64] : memref<10240x32xf32, #tpu.memory_space<vmem_shared>> -> memref<128x32xf32, #tpu.memory_space<vmem_shared>>
        tpu.enqueue_dma source(%arg8 : memref<128x32xf32, #tpu.memory_space<vmem>>) target(%dma_start3A_65 : memref<128x32xf32, #tpu.memory_space<vmem_shared>>) target_semaphore(%run_scoped3A : memref<!tpu.dma_semaphore, #tpu.memory_space<semaphore_mem>>)
        %dma_wait3A_66 = arith.constant 0 : i32
        %dma_wait3A_67 = tpu.memref_slice %arg20[%add3A_62, %dma_wait3A_66] : memref<10240x32xf32, #tpu.memory_space<vmem_shared>> -> memref<128x32xf32, #tpu.memory_space<vmem_shared>>
        %dma_wait3A_68 = arith.constant 0 : i32
        %dma_wait3A_69 = tpu.memref_slice %arg20[%add3A_62, %dma_wait3A_68] : memref<10240x32xf32, #tpu.memory_space<vmem_shared>> -> memref<128x32xf32, #tpu.memory_space<vmem_shared>>
        tpu.wait_dma2 semaphore(%run_scoped3A : memref<!tpu.dma_semaphore, #tpu.memory_space<semaphore_mem>>) src(%arg8 : memref<128x32xf32, #tpu.memory_space<vmem>>) dst(%dma_wait3A_69 : memref<128x32xf32, #tpu.memory_space<vmem_shared>>)
        tpu.yield
      }) : () -> ()
    }
    %scan3A_16 = arith.constant 5 : i32
    %barrier3A = arith.constant 0 : index
    tpu.barrier barrier_id(%barrier3A)
    %scan3A_17 = arith.constant 0 : i32
    %scan3A_18 = arith.constant 0 : i32
    %scan3A_19 = arith.constant 22 : i32
    %scan3A_20 = arith.addi %scan3A_18, %scan3A_19 : i32
    %scan3A_21 = arith.constant 1 : i32
    scf.for %scan3A_57 = %scan3A_18 to %scan3A_20 step %scan3A_21  : i32 {
      %gt3A = arith.constant 0 : i32
      %gt3A_58 = arith.cmpi sgt, %scan3A_57, %gt3A : i32
      %convert_element_type3A = arith.extui %gt3A_58 : i1 to i32
      %cond3A = arith.constant 0 : i32
      %cond3A_59 = arith.cmpi ne, %convert_element_type3A, %cond3A : i32
      scf.if %cond3A_59 {
        %sub3A = arith.constant 1 : i32
        %sub3A_194 = arith.subi %scan3A_57, %sub3A : i32
        %mul3A_195 = arith.constant 4 : i32
        %mul3A_196 = arith.muli %mul3A_195, %sub3A_194 : i32
        %add3A_197 = arith.constant 0 : i32
        %add3A_198 = arith.addi %mul3A_196, %add3A_197 : i32
        %dma_wait3A_199 = arith.constant 0 : i32
        %dma_wait3A_200 = tpu.memref_slice %arg7[%add3A_198, %dma_wait3A_199] : memref<88x128xi32, #tpu.memory_space<vmem>> -> memref<1x128xi32, #tpu.memory_space<vmem>>
        %dma_wait3A_201 = tpu.memref_squeeze %dma_wait3A_200 : memref<1x128xi32, #tpu.memory_space<vmem>> -> memref<128xi32, #tpu.memory_space<vmem>>
        %dma_wait3A_202 = arith.constant 0 : i32
        %dma_wait3A_203 = arith.constant 0 : i32
        %dma_wait3A_204 = tpu.memref_slice %arg20[%dma_wait3A_202, %dma_wait3A_203] : memref<10240x32xf32, #tpu.memory_space<vmem_shared>> -> memref<10240x32xf32, #tpu.memory_space<vmem_shared>>
        tpu.wait_indirect_dma semaphore(%arg16 : memref<!tpu.dma_semaphore, #tpu.memory_space<semaphore_mem>>) src(%arg8 : memref<128x32xf32, #tpu.memory_space<vmem>>) dst(%dma_wait3A_204 : memref<10240x32xf32, #tpu.memory_space<vmem_shared>>)
      } else {
      }
      %mul3A_60 = arith.constant 4 : i32
      %mul3A_61 = arith.muli %mul3A_60, %scan3A_57 : i32
      %add3A_62 = arith.constant 0 : i32
      %add3A_63 = arith.addi %mul3A_61, %add3A_62 : i32
      %dma_start3A = arith.constant 0 : i32
      %dma_start3A_64 = tpu.memref_slice %arg6[%add3A_63, %dma_start3A] : memref<88x128xi32, #tpu.memory_space<vmem>> -> memref<1x128xi32, #tpu.memory_space<vmem>>
      %dma_start3A_65 = tpu.memref_squeeze %dma_start3A_64 : memref<1x128xi32, #tpu.memory_space<vmem>> -> memref<128xi32, #tpu.memory_space<vmem>>
      %dma_start3A_66 = arith.constant 0 : i32
      %dma_start3A_67 = arith.constant 0 : i32
      %dma_start3A_68 = tpu.memref_slice %arg2[%dma_start3A_66, %dma_start3A_67] : memref<10240x32xf32, #tpu.memory_space<hbm>> -> memref<10240x32xf32, #tpu.memory_space<hbm>>
      tpu.enqueue_indirect_dma source(%dma_start3A_68 : memref<10240x32xf32, #tpu.memory_space<hbm>>) target(%arg8 : memref<128x32xf32, #tpu.memory_space<vmem>>) offsets(%dma_start3A_65 : memref<128xi32, #tpu.memory_space<vmem>>) semaphore(%arg12 : memref<!tpu.dma_semaphore, #tpu.memory_space<semaphore_mem>>)
      %gt3A_69 = arith.constant 0 : i32
      %gt3A_70 = arith.cmpi sgt, %scan3A_57, %gt3A_69 : i32
      %convert_element_type3A_71 = arith.extui %gt3A_70 : i1 to i32
      %cond3A_72 = arith.constant 0 : i32
      %cond3A_73 = arith.cmpi ne, %convert_element_type3A_71, %cond3A_72 : i32
      scf.if %cond3A_73 {
        %sub3A = arith.constant 1 : i32
        %sub3A_194 = arith.subi %scan3A_57, %sub3A : i32
        %mul3A_195 = arith.constant 4 : i32
        %mul3A_196 = arith.muli %mul3A_195, %sub3A_194 : i32
        %add3A_197 = arith.constant 1 : i32
        %add3A_198 = arith.addi %mul3A_196, %add3A_197 : i32
        %dma_wait3A_199 = arith.constant 0 : i32
        %dma_wait3A_200 = tpu.memref_slice %arg7[%add3A_198, %dma_wait3A_199] : memref<88x128xi32, #tpu.memory_space<vmem>> -> memref<1x128xi32, #tpu.memory_space<vmem>>
        %dma_wait3A_201 = tpu.memref_squeeze %dma_wait3A_200 : memref<1x128xi32, #tpu.memory_space<vmem>> -> memref<128xi32, #tpu.memory_space<vmem>>
        %dma_wait3A_202 = arith.constant 0 : i32
        %dma_wait3A_203 = arith.constant 0 : i32
        %dma_wait3A_204 = tpu.memref_slice %arg20[%dma_wait3A_202, %dma_wait3A_203] : memref<10240x32xf32, #tpu.memory_space<vmem_shared>> -> memref<10240x32xf32, #tpu.memory_space<vmem_shared>>
        tpu.wait_indirect_dma semaphore(%arg17 : memref<!tpu.dma_semaphore, #tpu.memory_space<semaphore_mem>>) src(%arg9 : memref<128x32xf32, #tpu.memory_space<vmem>>) dst(%dma_wait3A_204 : memref<10240x32xf32, #tpu.memory_space<vmem_shared>>)
      } else {
      }
      %mul3A_74 = arith.constant 4 : i32
      %mul3A_75 = arith.muli %mul3A_74, %scan3A_57 : i32
      %add3A_76 = arith.constant 1 : i32
      %add3A_77 = arith.addi %mul3A_75, %add3A_76 : i32
      %dma_start3A_78 = arith.constant 0 : i32
      %dma_start3A_79 = tpu.memref_slice %arg6[%add3A_77, %dma_start3A_78] : memref<88x128xi32, #tpu.memory_space<vmem>> -> memref<1x128xi32, #tpu.memory_space<vmem>>
      %dma_start3A_80 = tpu.memref_squeeze %dma_start3A_79 : memref<1x128xi32, #tpu.memory_space<vmem>> -> memref<128xi32, #tpu.memory_space<vmem>>
      %dma_start3A_81 = arith.constant 0 : i32
      %dma_start3A_82 = arith.constant 0 : i32
      %dma_start3A_83 = tpu.memref_slice %arg2[%dma_start3A_81, %dma_start3A_82] : memref<10240x32xf32, #tpu.memory_space<hbm>> -> memref<10240x32xf32, #tpu.memory_space<hbm>>
      tpu.enqueue_indirect_dma source(%dma_start3A_83 : memref<10240x32xf32, #tpu.memory_space<hbm>>) target(%arg9 : memref<128x32xf32, #tpu.memory_space<vmem>>) offsets(%dma_start3A_80 : memref<128xi32, #tpu.memory_space<vmem>>) semaphore(%arg13 : memref<!tpu.dma_semaphore, #tpu.memory_space<semaphore_mem>>)
      %gt3A_84 = arith.constant 0 : i32
      %gt3A_85 = arith.cmpi sgt, %scan3A_57, %gt3A_84 : i32
      %convert_element_type3A_86 = arith.extui %gt3A_85 : i1 to i32
      %cond3A_87 = arith.constant 0 : i32
      %cond3A_88 = arith.cmpi ne, %convert_element_type3A_86, %cond3A_87 : i32
      scf.if %cond3A_88 {
        %sub3A = arith.constant 1 : i32
        %sub3A_194 = arith.subi %scan3A_57, %sub3A : i32
        %mul3A_195 = arith.constant 4 : i32
        %mul3A_196 = arith.muli %mul3A_195, %sub3A_194 : i32
        %add3A_197 = arith.constant 2 : i32
        %add3A_198 = arith.addi %mul3A_196, %add3A_197 : i32
        %dma_wait3A_199 = arith.constant 0 : i32
        %dma_wait3A_200 = tpu.memref_slice %arg7[%add3A_198, %dma_wait3A_199] : memref<88x128xi32, #tpu.memory_space<vmem>> -> memref<1x128xi32, #tpu.memory_space<vmem>>
        %dma_wait3A_201 = tpu.memref_squeeze %dma_wait3A_200 : memref<1x128xi32, #tpu.memory_space<vmem>> -> memref<128xi32, #tpu.memory_space<vmem>>
        %dma_wait3A_202 = arith.constant 0 : i32
        %dma_wait3A_203 = arith.constant 0 : i32
        %dma_wait3A_204 = tpu.memref_slice %arg20[%dma_wait3A_202, %dma_wait3A_203] : memref<10240x32xf32, #tpu.memory_space<vmem_shared>> -> memref<10240x32xf32, #tpu.memory_space<vmem_shared>>
        tpu.wait_indirect_dma semaphore(%arg18 : memref<!tpu.dma_semaphore, #tpu.memory_space<semaphore_mem>>) src(%arg10 : memref<128x32xf32, #tpu.memory_space<vmem>>) dst(%dma_wait3A_204 : memref<10240x32xf32, #tpu.memory_space<vmem_shared>>)
      } else {
      }
      %mul3A_89 = arith.constant 4 : i32
      %mul3A_90 = arith.muli %mul3A_89, %scan3A_57 : i32
      %add3A_91 = arith.constant 2 : i32
      %add3A_92 = arith.addi %mul3A_90, %add3A_91 : i32
      %dma_start3A_93 = arith.constant 0 : i32
      %dma_start3A_94 = tpu.memref_slice %arg6[%add3A_92, %dma_start3A_93] : memref<88x128xi32, #tpu.memory_space<vmem>> -> memref<1x128xi32, #tpu.memory_space<vmem>>
      %dma_start3A_95 = tpu.memref_squeeze %dma_start3A_94 : memref<1x128xi32, #tpu.memory_space<vmem>> -> memref<128xi32, #tpu.memory_space<vmem>>
      %dma_start3A_96 = arith.constant 0 : i32
      %dma_start3A_97 = arith.constant 0 : i32
      %dma_start3A_98 = tpu.memref_slice %arg2[%dma_start3A_96, %dma_start3A_97] : memref<10240x32xf32, #tpu.memory_space<hbm>> -> memref<10240x32xf32, #tpu.memory_space<hbm>>
      tpu.enqueue_indirect_dma source(%dma_start3A_98 : memref<10240x32xf32, #tpu.memory_space<hbm>>) target(%arg10 : memref<128x32xf32, #tpu.memory_space<vmem>>) offsets(%dma_start3A_95 : memref<128xi32, #tpu.memory_space<vmem>>) semaphore(%arg14 : memref<!tpu.dma_semaphore, #tpu.memory_space<semaphore_mem>>)
      %gt3A_99 = arith.constant 0 : i32
      %gt3A_100 = arith.cmpi sgt, %scan3A_57, %gt3A_99 : i32
      %convert_element_type3A_101 = arith.extui %gt3A_100 : i1 to i32
      %cond3A_102 = arith.constant 0 : i32
      %cond3A_103 = arith.cmpi ne, %convert_element_type3A_101, %cond3A_102 : i32
      scf.if %cond3A_103 {
        %sub3A = arith.constant 1 : i32
        %sub3A_194 = arith.subi %scan3A_57, %sub3A : i32
        %mul3A_195 = arith.constant 4 : i32
        %mul3A_196 = arith.muli %mul3A_195, %sub3A_194 : i32
        %add3A_197 = arith.constant 3 : i32
        %add3A_198 = arith.addi %mul3A_196, %add3A_197 : i32
        %dma_wait3A_199 = arith.constant 0 : i32
        %dma_wait3A_200 = tpu.memref_slice %arg7[%add3A_198, %dma_wait3A_199] : memref<88x128xi32, #tpu.memory_space<vmem>> -> memref<1x128xi32, #tpu.memory_space<vmem>>
        %dma_wait3A_201 = tpu.memref_squeeze %dma_wait3A_200 : memref<1x128xi32, #tpu.memory_space<vmem>> -> memref<128xi32, #tpu.memory_space<vmem>>
        %dma_wait3A_202 = arith.constant 0 : i32
        %dma_wait3A_203 = arith.constant 0 : i32
        %dma_wait3A_204 = tpu.memref_slice %arg20[%dma_wait3A_202, %dma_wait3A_203] : memref<10240x32xf32, #tpu.memory_space<vmem_shared>> -> memref<10240x32xf32, #tpu.memory_space<vmem_shared>>
        tpu.wait_indirect_dma semaphore(%arg19 : memref<!tpu.dma_semaphore, #tpu.memory_space<semaphore_mem>>) src(%arg11 : memref<128x32xf32, #tpu.memory_space<vmem>>) dst(%dma_wait3A_204 : memref<10240x32xf32, #tpu.memory_space<vmem_shared>>)
      } else {
      }
      %mul3A_104 = arith.constant 4 : i32
      %mul3A_105 = arith.muli %mul3A_104, %scan3A_57 : i32
      %add3A_106 = arith.constant 3 : i32
      %add3A_107 = arith.addi %mul3A_105, %add3A_106 : i32
      %dma_start3A_108 = arith.constant 0 : i32
      %dma_start3A_109 = tpu.memref_slice %arg6[%add3A_107, %dma_start3A_108] : memref<88x128xi32, #tpu.memory_space<vmem>> -> memref<1x128xi32, #tpu.memory_space<vmem>>
      %dma_start3A_110 = tpu.memref_squeeze %dma_start3A_109 : memref<1x128xi32, #tpu.memory_space<vmem>> -> memref<128xi32, #tpu.memory_space<vmem>>
      %dma_start3A_111 = arith.constant 0 : i32
      %dma_start3A_112 = arith.constant 0 : i32
      %dma_start3A_113 = tpu.memref_slice %arg2[%dma_start3A_111, %dma_start3A_112] : memref<10240x32xf32, #tpu.memory_space<hbm>> -> memref<10240x32xf32, #tpu.memory_space<hbm>>
      tpu.enqueue_indirect_dma source(%dma_start3A_113 : memref<10240x32xf32, #tpu.memory_space<hbm>>) target(%arg11 : memref<128x32xf32, #tpu.memory_space<vmem>>) offsets(%dma_start3A_110 : memref<128xi32, #tpu.memory_space<vmem>>) semaphore(%arg15 : memref<!tpu.dma_semaphore, #tpu.memory_space<semaphore_mem>>)
      %mul3A_114 = arith.constant 4 : i32
      %mul3A_115 = arith.muli %mul3A_114, %scan3A_57 : i32
      %add3A_116 = arith.constant 0 : i32
      %add3A_117 = arith.addi %mul3A_115, %add3A_116 : i32
      %dma_wait3A_118 = arith.constant 0 : i32
      %dma_wait3A_119 = tpu.memref_slice %arg6[%add3A_117, %dma_wait3A_118] : memref<88x128xi32, #tpu.memory_space<vmem>> -> memref<1x128xi32, #tpu.memory_space<vmem>>
      %dma_wait3A_120 = tpu.memref_squeeze %dma_wait3A_119 : memref<1x128xi32, #tpu.memory_space<vmem>> -> memref<128xi32, #tpu.memory_space<vmem>>
      %dma_wait3A_121 = arith.constant 0 : i32
      %dma_wait3A_122 = arith.constant 0 : i32
      %dma_wait3A_123 = tpu.memref_slice %arg2[%dma_wait3A_121, %dma_wait3A_122] : memref<10240x32xf32, #tpu.memory_space<hbm>> -> memref<10240x32xf32, #tpu.memory_space<hbm>>
      tpu.wait_indirect_dma semaphore(%arg12 : memref<!tpu.dma_semaphore, #tpu.memory_space<semaphore_mem>>) src(%dma_wait3A_123 : memref<10240x32xf32, #tpu.memory_space<hbm>>) dst(%arg8 : memref<128x32xf32, #tpu.memory_space<vmem>>)
      %mul3A_124 = arith.constant 4 : i32
      %mul3A_125 = arith.muli %mul3A_124, %scan3A_57 : i32
      %add3A_126 = arith.constant 0 : i32
      %add3A_127 = arith.addi %mul3A_125, %add3A_126 : i32
      %dma_start3A_128 = arith.constant 0 : i32
      %dma_start3A_129 = tpu.memref_slice %arg7[%add3A_127, %dma_start3A_128] : memref<88x128xi32, #tpu.memory_space<vmem>> -> memref<1x128xi32, #tpu.memory_space<vmem>>
      %dma_start3A_130 = tpu.memref_squeeze %dma_start3A_129 : memref<1x128xi32, #tpu.memory_space<vmem>> -> memref<128xi32, #tpu.memory_space<vmem>>
      %dma_start3A_131 = arith.constant 0 : i32
      %dma_start3A_132 = arith.constant 0 : i32
      %dma_start3A_133 = tpu.memref_slice %arg20[%dma_start3A_131, %dma_start3A_132] : memref<10240x32xf32, #tpu.memory_space<vmem_shared>> -> memref<10240x32xf32, #tpu.memory_space<vmem_shared>>
      tpu.enqueue_indirect_dma source(%arg8 : memref<128x32xf32, #tpu.memory_space<vmem>>) target(%dma_start3A_133 : memref<10240x32xf32, #tpu.memory_space<vmem_shared>>) offsets(%dma_start3A_130 : memref<128xi32, #tpu.memory_space<vmem>>) semaphore(%arg16 : memref<!tpu.dma_semaphore, #tpu.memory_space<semaphore_mem>>) {add = true}
      %mul3A_134 = arith.constant 4 : i32
      %mul3A_135 = arith.muli %mul3A_134, %scan3A_57 : i32
      %add3A_136 = arith.constant 1 : i32
      %add3A_137 = arith.addi %mul3A_135, %add3A_136 : i32
      %dma_wait3A_138 = arith.constant 0 : i32
      %dma_wait3A_139 = tpu.memref_slice %arg6[%add3A_137, %dma_wait3A_138] : memref<88x128xi32, #tpu.memory_space<vmem>> -> memref<1x128xi32, #tpu.memory_space<vmem>>
      %dma_wait3A_140 = tpu.memref_squeeze %dma_wait3A_139 : memref<1x128xi32, #tpu.memory_space<vmem>> -> memref<128xi32, #tpu.memory_space<vmem>>
      %dma_wait3A_141 = arith.constant 0 : i32
      %dma_wait3A_142 = arith.constant 0 : i32
      %dma_wait3A_143 = tpu.memref_slice %arg2[%dma_wait3A_141, %dma_wait3A_142] : memref<10240x32xf32, #tpu.memory_space<hbm>> -> memref<10240x32xf32, #tpu.memory_space<hbm>>
      tpu.wait_indirect_dma semaphore(%arg13 : memref<!tpu.dma_semaphore, #tpu.memory_space<semaphore_mem>>) src(%dma_wait3A_143 : memref<10240x32xf32, #tpu.memory_space<hbm>>) dst(%arg9 : memref<128x32xf32, #tpu.memory_space<vmem>>)
      %mul3A_144 = arith.constant 4 : i32
      %mul3A_145 = arith.muli %mul3A_144, %scan3A_57 : i32
      %add3A_146 = arith.constant 1 : i32
      %add3A_147 = arith.addi %mul3A_145, %add3A_146 : i32
      %dma_start3A_148 = arith.constant 0 : i32
      %dma_start3A_149 = tpu.memref_slice %arg7[%add3A_147, %dma_start3A_148] : memref<88x128xi32, #tpu.memory_space<vmem>> -> memref<1x128xi32, #tpu.memory_space<vmem>>
      %dma_start3A_150 = tpu.memref_squeeze %dma_start3A_149 : memref<1x128xi32, #tpu.memory_space<vmem>> -> memref<128xi32, #tpu.memory_space<vmem>>
      %dma_start3A_151 = arith.constant 0 : i32
      %dma_start3A_152 = arith.constant 0 : i32
      %dma_start3A_153 = tpu.memref_slice %arg20[%dma_start3A_151, %dma_start3A_152] : memref<10240x32xf32, #tpu.memory_space<vmem_shared>> -> memref<10240x32xf32, #tpu.memory_space<vmem_shared>>
      tpu.enqueue_indirect_dma source(%arg9 : memref<128x32xf32, #tpu.memory_space<vmem>>) target(%dma_start3A_153 : memref<10240x32xf32, #tpu.memory_space<vmem_shared>>) offsets(%dma_start3A_150 : memref<128xi32, #tpu.memory_space<vmem>>) semaphore(%arg17 : memref<!tpu.dma_semaphore, #tpu.memory_space<semaphore_mem>>) {add = true}
      %mul3A_154 = arith.constant 4 : i32
      %mul3A_155 = arith.muli %mul3A_154, %scan3A_57 : i32
      %add3A_156 = arith.constant 2 : i32
      %add3A_157 = arith.addi %mul3A_155, %add3A_156 : i32
      %dma_wait3A_158 = arith.constant 0 : i32
      %dma_wait3A_159 = tpu.memref_slice %arg6[%add3A_157, %dma_wait3A_158] : memref<88x128xi32, #tpu.memory_space<vmem>> -> memref<1x128xi32, #tpu.memory_space<vmem>>
      %dma_wait3A_160 = tpu.memref_squeeze %dma_wait3A_159 : memref<1x128xi32, #tpu.memory_space<vmem>> -> memref<128xi32, #tpu.memory_space<vmem>>
      %dma_wait3A_161 = arith.constant 0 : i32
      %dma_wait3A_162 = arith.constant 0 : i32
      %dma_wait3A_163 = tpu.memref_slice %arg2[%dma_wait3A_161, %dma_wait3A_162] : memref<10240x32xf32, #tpu.memory_space<hbm>> -> memref<10240x32xf32, #tpu.memory_space<hbm>>
      tpu.wait_indirect_dma semaphore(%arg14 : memref<!tpu.dma_semaphore, #tpu.memory_space<semaphore_mem>>) src(%dma_wait3A_163 : memref<10240x32xf32, #tpu.memory_space<hbm>>) dst(%arg10 : memref<128x32xf32, #tpu.memory_space<vmem>>)
      %mul3A_164 = arith.constant 4 : i32
      %mul3A_165 = arith.muli %mul3A_164, %scan3A_57 : i32
      %add3A_166 = arith.constant 2 : i32
      %add3A_167 = arith.addi %mul3A_165, %add3A_166 : i32
      %dma_start3A_168 = arith.constant 0 : i32
      %dma_start3A_169 = tpu.memref_slice %arg7[%add3A_167, %dma_start3A_168] : memref<88x128xi32, #tpu.memory_space<vmem>> -> memref<1x128xi32, #tpu.memory_space<vmem>>
      %dma_start3A_170 = tpu.memref_squeeze %dma_start3A_169 : memref<1x128xi32, #tpu.memory_space<vmem>> -> memref<128xi32, #tpu.memory_space<vmem>>
      %dma_start3A_171 = arith.constant 0 : i32
      %dma_start3A_172 = arith.constant 0 : i32
      %dma_start3A_173 = tpu.memref_slice %arg20[%dma_start3A_171, %dma_start3A_172] : memref<10240x32xf32, #tpu.memory_space<vmem_shared>> -> memref<10240x32xf32, #tpu.memory_space<vmem_shared>>
      tpu.enqueue_indirect_dma source(%arg10 : memref<128x32xf32, #tpu.memory_space<vmem>>) target(%dma_start3A_173 : memref<10240x32xf32, #tpu.memory_space<vmem_shared>>) offsets(%dma_start3A_170 : memref<128xi32, #tpu.memory_space<vmem>>) semaphore(%arg18 : memref<!tpu.dma_semaphore, #tpu.memory_space<semaphore_mem>>) {add = true}
      %mul3A_174 = arith.constant 4 : i32
      %mul3A_175 = arith.muli %mul3A_174, %scan3A_57 : i32
      %add3A_176 = arith.constant 3 : i32
      %add3A_177 = arith.addi %mul3A_175, %add3A_176 : i32
      %dma_wait3A_178 = arith.constant 0 : i32
      %dma_wait3A_179 = tpu.memref_slice %arg6[%add3A_177, %dma_wait3A_178] : memref<88x128xi32, #tpu.memory_space<vmem>> -> memref<1x128xi32, #tpu.memory_space<vmem>>
      %dma_wait3A_180 = tpu.memref_squeeze %dma_wait3A_179 : memref<1x128xi32, #tpu.memory_space<vmem>> -> memref<128xi32, #tpu.memory_space<vmem>>
      %dma_wait3A_181 = arith.constant 0 : i32
      %dma_wait3A_182 = arith.constant 0 : i32
      %dma_wait3A_183 = tpu.memref_slice %arg2[%dma_wait3A_181, %dma_wait3A_182] : memref<10240x32xf32, #tpu.memory_space<hbm>> -> memref<10240x32xf32, #tpu.memory_space<hbm>>
      tpu.wait_indirect_dma semaphore(%arg15 : memref<!tpu.dma_semaphore, #tpu.memory_space<semaphore_mem>>) src(%dma_wait3A_183 : memref<10240x32xf32, #tpu.memory_space<hbm>>) dst(%arg11 : memref<128x32xf32, #tpu.memory_space<vmem>>)
      %mul3A_184 = arith.constant 4 : i32
      %mul3A_185 = arith.muli %mul3A_184, %scan3A_57 : i32
      %add3A_186 = arith.constant 3 : i32
      %add3A_187 = arith.addi %mul3A_185, %add3A_186 : i32
      %dma_start3A_188 = arith.constant 0 : i32
      %dma_start3A_189 = tpu.memref_slice %arg7[%add3A_187, %dma_start3A_188] : memref<88x128xi32, #tpu.memory_space<vmem>> -> memref<1x128xi32, #tpu.memory_space<vmem>>
      %dma_start3A_190 = tpu.memref_squeeze %dma_start3A_189 : memref<1x128xi32, #tpu.memory_space<vmem>> -> memref<128xi32, #tpu.memory_space<vmem>>
      %dma_start3A_191 = arith.constant 0 : i32
      %dma_start3A_192 = arith.constant 0 : i32
      %dma_start3A_193 = tpu.memref_slice %arg20[%dma_start3A_191, %dma_start3A_192] : memref<10240x32xf32, #tpu.memory_space<vmem_shared>> -> memref<10240x32xf32, #tpu.memory_space<vmem_shared>>
      tpu.enqueue_indirect_dma source(%arg11 : memref<128x32xf32, #tpu.memory_space<vmem>>) target(%dma_start3A_193 : memref<10240x32xf32, #tpu.memory_space<vmem_shared>>) offsets(%dma_start3A_190 : memref<128xi32, #tpu.memory_space<vmem>>) semaphore(%arg19 : memref<!tpu.dma_semaphore, #tpu.memory_space<semaphore_mem>>) {add = true}
    }
    %scan3A_22 = arith.constant 22 : i32
    %dma_wait3A = arith.constant 84 : i32
    %dma_wait3A_23 = arith.constant 0 : i32
    %dma_wait3A_24 = tpu.memref_slice %arg7[%dma_wait3A, %dma_wait3A_23] : memref<88x128xi32, #tpu.memory_space<vmem>> -> memref<1x128xi32, #tpu.memory_space<vmem>>
    %dma_wait3A_25 = tpu.memref_squeeze %dma_wait3A_24 : memref<1x128xi32, #tpu.memory_space<vmem>> -> memref<128xi32, #tpu.memory_space<vmem>>
    %dma_wait3A_26 = arith.constant 0 : i32
    %dma_wait3A_27 = arith.constant 0 : i32
    %dma_wait3A_28 = tpu.memref_slice %arg20[%dma_wait3A_26, %dma_wait3A_27] : memref<10240x32xf32, #tpu.memory_space<vmem_shared>> -> memref<10240x32xf32, #tpu.memory_space<vmem_shared>>
    tpu.wait_indirect_dma semaphore(%arg16 : memref<!tpu.dma_semaphore, #tpu.memory_space<semaphore_mem>>) src(%arg8 : memref<128x32xf32, #tpu.memory_space<vmem>>) dst(%dma_wait3A_28 : memref<10240x32xf32, #tpu.memory_space<vmem_shared>>)
    %dma_wait3A_29 = arith.constant 85 : i32
    %dma_wait3A_30 = arith.constant 0 : i32
    %dma_wait3A_31 = tpu.memref_slice %arg7[%dma_wait3A_29, %dma_wait3A_30] : memref<88x128xi32, #tpu.memory_space<vmem>> -> memref<1x128xi32, #tpu.memory_space<vmem>>
    %dma_wait3A_32 = tpu.memref_squeeze %dma_wait3A_31 : memref<1x128xi32, #tpu.memory_space<vmem>> -> memref<128xi32, #tpu.memory_space<vmem>>
    %dma_wait3A_33 = arith.constant 0 : i32
    %dma_wait3A_34 = arith.constant 0 : i32
    %dma_wait3A_35 = tpu.memref_slice %arg20[%dma_wait3A_33, %dma_wait3A_34] : memref<10240x32xf32, #tpu.memory_space<vmem_shared>> -> memref<10240x32xf32, #tpu.memory_space<vmem_shared>>
    tpu.wait_indirect_dma semaphore(%arg17 : memref<!tpu.dma_semaphore, #tpu.memory_space<semaphore_mem>>) src(%arg9 : memref<128x32xf32, #tpu.memory_space<vmem>>) dst(%dma_wait3A_35 : memref<10240x32xf32, #tpu.memory_space<vmem_shared>>)
    %dma_wait3A_36 = arith.constant 86 : i32
    %dma_wait3A_37 = arith.constant 0 : i32
    %dma_wait3A_38 = tpu.memref_slice %arg7[%dma_wait3A_36, %dma_wait3A_37] : memref<88x128xi32, #tpu.memory_space<vmem>> -> memref<1x128xi32, #tpu.memory_space<vmem>>
    %dma_wait3A_39 = tpu.memref_squeeze %dma_wait3A_38 : memref<1x128xi32, #tpu.memory_space<vmem>> -> memref<128xi32, #tpu.memory_space<vmem>>
    %dma_wait3A_40 = arith.constant 0 : i32
    %dma_wait3A_41 = arith.constant 0 : i32
    %dma_wait3A_42 = tpu.memref_slice %arg20[%dma_wait3A_40, %dma_wait3A_41] : memref<10240x32xf32, #tpu.memory_space<vmem_shared>> -> memref<10240x32xf32, #tpu.memory_space<vmem_shared>>
    tpu.wait_indirect_dma semaphore(%arg18 : memref<!tpu.dma_semaphore, #tpu.memory_space<semaphore_mem>>) src(%arg10 : memref<128x32xf32, #tpu.memory_space<vmem>>) dst(%dma_wait3A_42 : memref<10240x32xf32, #tpu.memory_space<vmem_shared>>)
    %dma_wait3A_43 = arith.constant 87 : i32
    %dma_wait3A_44 = arith.constant 0 : i32
    %dma_wait3A_45 = tpu.memref_slice %arg7[%dma_wait3A_43, %dma_wait3A_44] : memref<88x128xi32, #tpu.memory_space<vmem>> -> memref<1x128xi32, #tpu.memory_space<vmem>>
    %dma_wait3A_46 = tpu.memref_squeeze %dma_wait3A_45 : memref<1x128xi32, #tpu.memory_space<vmem>> -> memref<128xi32, #tpu.memory_space<vmem>>
    %dma_wait3A_47 = arith.constant 0 : i32
    %dma_wait3A_48 = arith.constant 0 : i32
    %dma_wait3A_49 = tpu.memref_slice %arg20[%dma_wait3A_47, %dma_wait3A_48] : memref<10240x32xf32, #tpu.memory_space<vmem_shared>> -> memref<10240x32xf32, #tpu.memory_space<vmem_shared>>
    tpu.wait_indirect_dma semaphore(%arg19 : memref<!tpu.dma_semaphore, #tpu.memory_space<semaphore_mem>>) src(%arg11 : memref<128x32xf32, #tpu.memory_space<vmem>>) dst(%dma_wait3A_49 : memref<10240x32xf32, #tpu.memory_space<vmem_shared>>)
    %barrier3A_50 = arith.constant 0 : index
    tpu.barrier barrier_id(%barrier3A_50)
    %scan3A_51 = arith.constant 0 : i32
    %scan3A_52 = arith.constant 0 : i32
    %scan3A_53 = arith.constant 5 : i32
    %scan3A_54 = arith.addi %scan3A_52, %scan3A_53 : i32
    %scan3A_55 = arith.constant 1 : i32
    scf.for %scan3A_57 = %scan3A_52 to %scan3A_54 step %scan3A_55  : i32 {
      %mul3A_58 = arith.constant 640 : i32
      %mul3A_59 = arith.muli %arg1, %mul3A_58 : i32
      %mul3A_60 = arith.constant 128 : i32
      %mul3A_61 = arith.muli %scan3A_57, %mul3A_60 : i32
      %add3A_62 = arith.addi %mul3A_59, %mul3A_61 : i32
      "tpu.region"() ({
        %run_scoped3A = tpu.sem_alloc : memref<!tpu.dma_semaphore, #tpu.memory_space<semaphore_mem>>
        %dma_start3A = arith.constant 0 : i32
        %dma_start3A_68 = tpu.memref_slice %arg20[%add3A_62, %dma_start3A] : memref<10240x32xf32, #tpu.memory_space<vmem_shared>> -> memref<128x32xf32, #tpu.memory_space<vmem_shared>>
        %dma_start3A_69 = arith.constant 0 : i32
        %dma_start3A_70 = tpu.memref_slice %arg20[%add3A_62, %dma_start3A_69] : memref<10240x32xf32, #tpu.memory_space<vmem_shared>> -> memref<128x32xf32, #tpu.memory_space<vmem_shared>>
        tpu.enqueue_dma source(%dma_start3A_70 : memref<128x32xf32, #tpu.memory_space<vmem_shared>>) target(%arg8 : memref<128x32xf32, #tpu.memory_space<vmem>>) target_semaphore(%run_scoped3A : memref<!tpu.dma_semaphore, #tpu.memory_space<semaphore_mem>>)
        %dma_wait3A_71 = arith.constant 0 : i32
        %dma_wait3A_72 = tpu.memref_slice %arg20[%add3A_62, %dma_wait3A_71] : memref<10240x32xf32, #tpu.memory_space<vmem_shared>> -> memref<128x32xf32, #tpu.memory_space<vmem_shared>>
        %dma_wait3A_73 = arith.constant 0 : i32
        %dma_wait3A_74 = tpu.memref_slice %arg20[%add3A_62, %dma_wait3A_73] : memref<10240x32xf32, #tpu.memory_space<vmem_shared>> -> memref<128x32xf32, #tpu.memory_space<vmem_shared>>
        tpu.wait_dma2 semaphore(%run_scoped3A : memref<!tpu.dma_semaphore, #tpu.memory_space<semaphore_mem>>) src(%dma_wait3A_74 : memref<128x32xf32, #tpu.memory_space<vmem_shared>>) dst(%arg8 : memref<128x32xf32, #tpu.memory_space<vmem>>)
        tpu.yield
      }) : () -> ()
      %mul3A_63 = arith.constant 640 : i32
      %mul3A_64 = arith.muli %arg1, %mul3A_63 : i32
      %mul3A_65 = arith.constant 128 : i32
      %mul3A_66 = arith.muli %scan3A_57, %mul3A_65 : i32
      %add3A_67 = arith.addi %mul3A_64, %mul3A_66 : i32
      "tpu.region"() ({
        %run_scoped3A = tpu.sem_alloc : memref<!tpu.dma_semaphore, #tpu.memory_space<semaphore_mem>>
        %dma_start3A = arith.constant 0 : i32
        %dma_start3A_68 = tpu.memref_slice %arg5[%arg0, %add3A_67, %dma_start3A] : memref<2x10240x32xf32, #tpu.memory_space<hbm>> -> memref<1x128x32xf32, #tpu.memory_space<hbm>>
        %dma_start3A_69 = tpu.memref_squeeze %dma_start3A_68 : memref<1x128x32xf32, #tpu.memory_space<hbm>> -> memref<128x32xf32, #tpu.memory_space<hbm>>
        %dma_start3A_70 = arith.constant 0 : i32
        %dma_start3A_71 = tpu.memref_slice %arg5[%arg0, %add3A_67, %dma_start3A_70] : memref<2x10240x32xf32, #tpu.memory_space<hbm>> -> memref<1x128x32xf32, #tpu.memory_space<hbm>>
        %dma_start3A_72 = tpu.memref_squeeze %dma_start3A_71 : memref<1x128x32xf32, #tpu.memory_space<hbm>> -> memref<128x32xf32, #tpu.memory_space<hbm>>
        tpu.enqueue_dma source(%arg8 : memref<128x32xf32, #tpu.memory_space<vmem>>) target(%dma_start3A_72 : memref<128x32xf32, #tpu.memory_space<hbm>>) target_semaphore(%run_scoped3A : memref<!tpu.dma_semaphore, #tpu.memory_space<semaphore_mem>>)
        %dma_wait3A_73 = arith.constant 0 : i32
        %dma_wait3A_74 = tpu.memref_slice %arg5[%arg0, %add3A_67, %dma_wait3A_73] : memref<2x10240x32xf32, #tpu.memory_space<hbm>> -> memref<1x128x32xf32, #tpu.memory_space<hbm>>
        %dma_wait3A_75 = tpu.memref_squeeze %dma_wait3A_74 : memref<1x128x32xf32, #tpu.memory_space<hbm>> -> memref<128x32xf32, #tpu.memory_space<hbm>>
        %dma_wait3A_76 = arith.constant 0 : i32
        %dma_wait3A_77 = tpu.memref_slice %arg5[%arg0, %add3A_67, %dma_wait3A_76] : memref<2x10240x32xf32, #tpu.memory_space<hbm>> -> memref<1x128x32xf32, #tpu.memory_space<hbm>>
        %dma_wait3A_78 = tpu.memref_squeeze %dma_wait3A_77 : memref<1x128x32xf32, #tpu.memory_space<hbm>> -> memref<128x32xf32, #tpu.memory_space<hbm>>
        tpu.wait_dma2 semaphore(%run_scoped3A : memref<!tpu.dma_semaphore, #tpu.memory_space<semaphore_mem>>) src(%arg8 : memref<128x32xf32, #tpu.memory_space<vmem>>) dst(%dma_wait3A_78 : memref<128x32xf32, #tpu.memory_space<hbm>>)
        tpu.yield
      }) : () -> ()
    }
    %scan3A_56 = arith.constant 5 : i32
    return
  }
}

module attributes {stable_mosaic.version = 14 : i64} {
  func.func @body(%arg0: i32, %arg1: memref<1280x128xf32, #tpu.memory_space<vmem>>, %arg2: memref<32x128xf32, #tpu.memory_space<vmem>>, %arg3: memref<32x1280xf32, #tpu.memory_space<vmem>>, %arg4: memref<1280x32xf32, #tpu.memory_space<vmem>>, %arg5: memref<1280x1xf32, #tpu.memory_space<vmem>>) attributes {dimension_semantics = [#tpu.dimension_semantics<arbitrary>], iteration_bounds = array<i64: 8>, scalar_prefetch = 0 : i64, scratch_operands = 0 : i64, tpu.core_type = #tpu.core_type<tc>, window_params = [{transform_indices = @transform_0, window_bounds = array<i64: 1280, 128>}, {pipeline_mode = #tpu.pipeline_mode<synchronous>, transform_indices = @transform_1, window_bounds = array<i64: 32, 128>}, {transform_indices = @transform_2, window_bounds = array<i64: 32, 1280>}, {transform_indices = @transform_3, window_bounds = array<i64: 1280, 32>}, {transform_indices = @transform_4, window_bounds = array<i64: 1280, 1>}]} {
    %get3A = arith.constant 0 : index
    %get3A_0 = arith.constant 0 : index
    %get3A_1 = vector.load %arg1[%get3A, %get3A_0] : memref<1280x128xf32, #tpu.memory_space<vmem>>, vector<1280x128xf32>
    %get3A_2 = arith.constant 0 : index
    %get3A_3 = arith.constant 0 : index
    %get3A_4 = vector.load %arg2[%get3A_2, %get3A_3] : memref<32x128xf32, #tpu.memory_space<vmem>>, vector<32x128xf32>
    %dot_general3A = arith.constant dense<0.000000e+00> : vector<1280x32xf32>
    %dot_general3A_5 = tpu.matmul %get3A_1, %get3A_4, %dot_general3A {dimension_numbers = #tpu.dot_dimension_numbers<[1], [1], [0], [0], [0, 0, 1, 0], [], []>, transpose_lhs_hint = false} : vector<1280x128xf32>, vector<32x128xf32>, vector<1280x32xf32> -> vector<1280x32xf32>
    %get3A_6 = arith.constant 0 : index
    %get3A_7 = arith.constant 0 : index
    %get3A_8 = vector.load %arg3[%get3A_6, %get3A_7] : memref<32x1280xf32, #tpu.memory_space<vmem>>, vector<32x1280xf32>
    %reduce_sum3A = arith.constant dense<0.000000e+00> : vector<1280xf32>
    %reduce_sum3A_9 = vector.multi_reduction <add>, %get3A_8, %reduce_sum3A [0] : vector<32x1280xf32> to vector<1280xf32>
    %rsqrt3A = math.rsqrt %reduce_sum3A_9 : vector<1280xf32>
    %broadcast_in_dim3A = vector.shape_cast %rsqrt3A : vector<1280xf32> to vector<1280x1xf32>
    %mul3A = vector.broadcast %broadcast_in_dim3A : vector<1280x1xf32> to vector<1280x32xf32>
    %mul3A_10 = arith.mulf %dot_general3A_5, %mul3A : vector<1280x32xf32>
    %swap3A = arith.constant 0 : index
    %swap3A_11 = arith.constant 0 : index
    %swap3A_12 = vector.load %arg4[%swap3A, %swap3A_11] : memref<1280x32xf32, #tpu.memory_space<vmem>>, vector<1280x32xf32>
    tpu.vector_store %arg4[%swap3A, %swap3A_11], %mul3A_10 {strides = array<i32>} : memref<1280x32xf32, #tpu.memory_space<vmem>>, vector<1280x32xf32>,
    %broadcast_in_dim3A_13 = vector.shape_cast %rsqrt3A : vector<1280xf32> to vector<1280x1xf32>
    %swap3A_14 = arith.constant 0 : index
    %swap3A_15 = arith.constant 0 : index
    %swap3A_16 = vector.load %arg5[%swap3A_14, %swap3A_15] : memref<1280x1xf32, #tpu.memory_space<vmem>>, vector<1280x1xf32>
    tpu.vector_store %arg5[%swap3A_14, %swap3A_15], %broadcast_in_dim3A_13 {strides = array<i32>} : memref<1280x1xf32, #tpu.memory_space<vmem>>, vector<1280x1xf32>,
    return
  }
  func.func @transform_0(%arg0: i32) -> (i32, i32) {
    %c0_i32 = arith.constant 0 : i32
    %c0_i32_0 = arith.constant 0 : i32
    return %arg0, %c0_i32 : i32, i32
  }
  func.func @transform_1(%arg0: i32) -> (i32, i32) {
    %c0_i32 = arith.constant 0 : i32
    %c0_i32_0 = arith.constant 0 : i32
    %c0_i32_1 = arith.constant 0 : i32
    return %c0_i32, %c0_i32_0 : i32, i32
  }
  func.func @transform_2(%arg0: i32) -> (i32, i32) {
    %c0_i32 = arith.constant 0 : i32
    %c0_i32_0 = arith.constant 0 : i32
    return %c0_i32, %arg0 : i32, i32
  }
  func.func @transform_3(%arg0: i32) -> (i32, i32) {
    %c0_i32 = arith.constant 0 : i32
    %c0_i32_0 = arith.constant 0 : i32
    return %arg0, %c0_i32 : i32, i32
  }
  func.func @transform_4(%arg0: i32) -> (i32, i32) {
    %c0_i32 = arith.constant 0 : i32
    %c0_i32_0 = arith.constant 0 : i32
    return %arg0, %c0_i32 : i32, i32
  }
}

module attributes {stable_mosaic.version = 14 : i64} {
  func.func @body(%arg0: i32, %arg1: memref<1280x32xf32, #tpu.memory_space<vmem>>, %arg2: memref<1280x32xf32, #tpu.memory_space<vmem>>, %arg3: memref<1280x1xf32, #tpu.memory_space<vmem>>, %arg4: memref<1x32xf32, #tpu.memory_space<vmem>>, %arg5: memref<32x32xf32, #tpu.memory_space<vmem>>, %arg6: memref<1280x32xf32, #tpu.memory_space<vmem>>) attributes {dimension_semantics = [#tpu.dimension_semantics<arbitrary>], iteration_bounds = array<i64: 8>, scalar_prefetch = 0 : i64, scratch_operands = 0 : i64, tpu.core_type = #tpu.core_type<tc>, window_params = [{transform_indices = @transform_0, window_bounds = array<i64: 1280, 32>}, {transform_indices = @transform_1, window_bounds = array<i64: 1280, 32>}, {transform_indices = @transform_2, window_bounds = array<i64: 1280, 1>}, {pipeline_mode = #tpu.pipeline_mode<synchronous>, transform_indices = @transform_3, window_bounds = array<i64: 1, 32>}, {pipeline_mode = #tpu.pipeline_mode<synchronous>, transform_indices = @transform_4, window_bounds = array<i64: 32, 32>}, {transform_indices = @transform_5, window_bounds = array<i64: 1280, 32>}]} {
    %get3A = arith.constant 0 : index
    %get3A_0 = arith.constant 0 : index
    %get3A_1 = vector.load %arg3[%get3A, %get3A_0] : memref<1280x1xf32, #tpu.memory_space<vmem>>, vector<1280x1xf32>
    %get3A_2 = arith.constant 0 : index
    %get3A_3 = arith.constant 0 : index
    %get3A_4 = vector.load %arg1[%get3A_2, %get3A_3] : memref<1280x32xf32, #tpu.memory_space<vmem>>, vector<1280x32xf32>
    %get3A_5 = arith.constant 0 : index
    %get3A_6 = arith.constant 0 : index
    %get3A_7 = vector.load %arg2[%get3A_5, %get3A_6] : memref<1280x32xf32, #tpu.memory_space<vmem>>, vector<1280x32xf32>
    %add3A = arith.addf %get3A_4, %get3A_7 : vector<1280x32xf32>
    %mul3A = vector.broadcast %get3A_1 : vector<1280x1xf32> to vector<1280x32xf32>
    %mul3A_8 = arith.mulf %mul3A, %add3A : vector<1280x32xf32>
    %get3A_9 = arith.constant 0 : index
    %get3A_10 = arith.constant 0 : index
    %get3A_11 = vector.load %arg4[%get3A_9, %get3A_10] : memref<1x32xf32, #tpu.memory_space<vmem>>, vector<1x32xf32>
    %add3A_12 = vector.broadcast %get3A_11 : vector<1x32xf32> to vector<1280x32xf32>
    %add3A_13 = arith.addf %mul3A_8, %add3A_12 : vector<1280x32xf32>
    %gt3A = arith.constant 0.000000e+00 : f32
    %gt3A_14 = vector.broadcast %gt3A : f32 to vector<1280x32xf32>
    %gt3A_15 = arith.cmpf ogt, %add3A_13, %gt3A_14 : vector<1280x32xf32>
    %exp3A = math.exp %add3A_13 : vector<1280x32xf32>
    %sub3A = arith.constant 1.000000e+00 : f32
    %sub3A_16 = vector.broadcast %sub3A : f32 to vector<1280x32xf32>
    %sub3A_17 = arith.subf %exp3A, %sub3A_16 : vector<1280x32xf32>
    %select_n3A = arith.select %gt3A_15, %add3A_13, %sub3A_17 : vector<1280x32xi1>, vector<1280x32xf32>
    %get3A_18 = arith.constant 0 : index
    %get3A_19 = arith.constant 0 : index
    %get3A_20 = vector.load %arg5[%get3A_18, %get3A_19] : memref<32x32xf32, #tpu.memory_space<vmem>>, vector<32x32xf32>
    %dot_general3A = arith.constant dense<0.000000e+00> : vector<1280x32xf32>
    %dot_general3A_21 = tpu.matmul %select_n3A, %get3A_20, %dot_general3A {dimension_numbers = #tpu.dot_dimension_numbers<[1], [1], [0], [0], [0, 0, 1, 0], [], []>, transpose_lhs_hint = false} : vector<1280x32xf32>, vector<32x32xf32>, vector<1280x32xf32> -> vector<1280x32xf32>
    %mul3A_22 = vector.broadcast %get3A_1 : vector<1280x1xf32> to vector<1280x32xf32>
    %mul3A_23 = arith.mulf %dot_general3A_21, %mul3A_22 : vector<1280x32xf32>
    %swap3A = arith.constant 0 : index
    %swap3A_24 = arith.constant 0 : index
    %swap3A_25 = vector.load %arg6[%swap3A, %swap3A_24] : memref<1280x32xf32, #tpu.memory_space<vmem>>, vector<1280x32xf32>
    tpu.vector_store %arg6[%swap3A, %swap3A_24], %mul3A_23 {strides = array<i32>} : memref<1280x32xf32, #tpu.memory_space<vmem>>, vector<1280x32xf32>,
    return
  }
  func.func @transform_0(%arg0: i32) -> (i32, i32) {
    %c0_i32 = arith.constant 0 : i32
    %c0_i32_0 = arith.constant 0 : i32
    return %arg0, %c0_i32 : i32, i32
  }
  func.func @transform_1(%arg0: i32) -> (i32, i32) {
    %c0_i32 = arith.constant 0 : i32
    %c0_i32_0 = arith.constant 0 : i32
    return %arg0, %c0_i32 : i32, i32
  }
  func.func @transform_2(%arg0: i32) -> (i32, i32) {
    %c0_i32 = arith.constant 0 : i32
    %c0_i32_0 = arith.constant 0 : i32
    return %arg0, %c0_i32 : i32, i32
  }
  func.func @transform_3(%arg0: i32) -> (i32, i32) {
    %c0_i32 = arith.constant 0 : i32
    %c0_i32_0 = arith.constant 0 : i32
    %c0_i32_1 = arith.constant 0 : i32
    return %c0_i32, %c0_i32_0 : i32, i32
  }
  func.func @transform_4(%arg0: i32) -> (i32, i32) {
    %c0_i32 = arith.constant 0 : i32
    %c0_i32_0 = arith.constant 0 : i32
    %c0_i32_1 = arith.constant 0 : i32
    return %c0_i32, %c0_i32_0 : i32, i32
  }
  func.func @transform_5(%arg0: i32) -> (i32, i32) {
    %c0_i32 = arith.constant 0 : i32
    %c0_i32_0 = arith.constant 0 : i32
    return %arg0, %c0_i32 : i32, i32
  }
}

module attributes {stable_mosaic.version = 14 : i64} {
  func.func @body(%arg0: i32, %arg1: memref<1280x32xf32, #tpu.memory_space<vmem>>, %arg2: memref<1280x32xf32, #tpu.memory_space<vmem>>, %arg3: memref<1280x1xf32, #tpu.memory_space<vmem>>, %arg4: memref<1x32xf32, #tpu.memory_space<vmem>>, %arg5: memref<32x32xf32, #tpu.memory_space<vmem>>, %arg6: memref<1x32xf32, #tpu.memory_space<vmem>>, %arg7: memref<8x32xf32, #tpu.memory_space<vmem>>, %arg8: memref<1x8xf32, #tpu.memory_space<vmem>>, %arg9: memref<1280x8xf32, #tpu.memory_space<vmem>>) attributes {dimension_semantics = [#tpu.dimension_semantics<arbitrary>], iteration_bounds = array<i64: 8>, scalar_prefetch = 0 : i64, scratch_operands = 0 : i64, tpu.core_type = #tpu.core_type<tc>, window_params = [{transform_indices = @transform_0, window_bounds = array<i64: 1280, 32>}, {transform_indices = @transform_1, window_bounds = array<i64: 1280, 32>}, {transform_indices = @transform_2, window_bounds = array<i64: 1280, 1>}, {pipeline_mode = #tpu.pipeline_mode<synchronous>, transform_indices = @transform_3, window_bounds = array<i64: 1, 32>}, {pipeline_mode = #tpu.pipeline_mode<synchronous>, transform_indices = @transform_4, window_bounds = array<i64: 32, 32>}, {pipeline_mode = #tpu.pipeline_mode<synchronous>, transform_indices = @transform_5, window_bounds = array<i64: 1, 32>}, {pipeline_mode = #tpu.pipeline_mode<synchronous>, transform_indices = @transform_6, window_bounds = array<i64: 8, 32>}, {pipeline_mode = #tpu.pipeline_mode<synchronous>, transform_indices = @transform_7, window_bounds = array<i64: 1, 8>}, {transform_indices = @transform_8, window_bounds = array<i64: 1280, 8>}]} {
    %get3A = arith.constant 0 : index
    %get3A_0 = arith.constant 0 : index
    %get3A_1 = vector.load %arg3[%get3A, %get3A_0] : memref<1280x1xf32, #tpu.memory_space<vmem>>, vector<1280x1xf32>
    %get3A_2 = arith.constant 0 : index
    %get3A_3 = arith.constant 0 : index
    %get3A_4 = vector.load %arg1[%get3A_2, %get3A_3] : memref<1280x32xf32, #tpu.memory_space<vmem>>, vector<1280x32xf32>
    %get3A_5 = arith.constant 0 : index
    %get3A_6 = arith.constant 0 : index
    %get3A_7 = vector.load %arg2[%get3A_5, %get3A_6] : memref<1280x32xf32, #tpu.memory_space<vmem>>, vector<1280x32xf32>
    %add3A = arith.addf %get3A_4, %get3A_7 : vector<1280x32xf32>
    %mul3A = vector.broadcast %get3A_1 : vector<1280x1xf32> to vector<1280x32xf32>
    %mul3A_8 = arith.mulf %mul3A, %add3A : vector<1280x32xf32>
    %get3A_9 = arith.constant 0 : index
    %get3A_10 = arith.constant 0 : index
    %get3A_11 = vector.load %arg4[%get3A_9, %get3A_10] : memref<1x32xf32, #tpu.memory_space<vmem>>, vector<1x32xf32>
    %add3A_12 = vector.broadcast %get3A_11 : vector<1x32xf32> to vector<1280x32xf32>
    %add3A_13 = arith.addf %mul3A_8, %add3A_12 : vector<1280x32xf32>
    %gt3A = arith.constant 0.000000e+00 : f32
    %gt3A_14 = vector.broadcast %gt3A : f32 to vector<1280x32xf32>
    %gt3A_15 = arith.cmpf ogt, %add3A_13, %gt3A_14 : vector<1280x32xf32>
    %exp3A = math.exp %add3A_13 : vector<1280x32xf32>
    %sub3A = arith.constant 1.000000e+00 : f32
    %sub3A_16 = vector.broadcast %sub3A : f32 to vector<1280x32xf32>
    %sub3A_17 = arith.subf %exp3A, %sub3A_16 : vector<1280x32xf32>
    %select_n3A = arith.select %gt3A_15, %add3A_13, %sub3A_17 : vector<1280x32xi1>, vector<1280x32xf32>
    %get3A_18 = arith.constant 0 : index
    %get3A_19 = arith.constant 0 : index
    %get3A_20 = vector.load %arg5[%get3A_18, %get3A_19] : memref<32x32xf32, #tpu.memory_space<vmem>>, vector<32x32xf32>
    %dot_general3A = arith.constant dense<0.000000e+00> : vector<1280x32xf32>
    %dot_general3A_21 = tpu.matmul %select_n3A, %get3A_20, %dot_general3A {dimension_numbers = #tpu.dot_dimension_numbers<[1], [1], [0], [0], [0, 0, 1, 0], [], []>, transpose_lhs_hint = false} : vector<1280x32xf32>, vector<32x32xf32>, vector<1280x32xf32> -> vector<1280x32xf32>
    %get3A_22 = arith.constant 0 : index
    %get3A_23 = arith.constant 0 : index
    %get3A_24 = vector.load %arg6[%get3A_22, %get3A_23] : memref<1x32xf32, #tpu.memory_space<vmem>>, vector<1x32xf32>
    %add3A_25 = vector.broadcast %get3A_24 : vector<1x32xf32> to vector<1280x32xf32>
    %add3A_26 = arith.addf %dot_general3A_21, %add3A_25 : vector<1280x32xf32>
    %max3A = arith.constant 0.000000e+00 : f32
    %max3A_27 = vector.broadcast %max3A : f32 to vector<1280x32xf32>
    %max3A_28 = arith.maximumf %add3A_26, %max3A_27 : vector<1280x32xf32>
    %get3A_29 = arith.constant 0 : index
    %get3A_30 = arith.constant 0 : index
    %get3A_31 = vector.load %arg7[%get3A_29, %get3A_30] : memref<8x32xf32, #tpu.memory_space<vmem>>, vector<8x32xf32>
    %dot_general3A_32 = arith.constant dense<0.000000e+00> : vector<1280x8xf32>
    %dot_general3A_33 = tpu.matmul %max3A_28, %get3A_31, %dot_general3A_32 {dimension_numbers = #tpu.dot_dimension_numbers<[1], [1], [0], [0], [0, 0, 1, 0], [], []>, transpose_lhs_hint = false} : vector<1280x32xf32>, vector<8x32xf32>, vector<1280x8xf32> -> vector<1280x8xf32>
    %get3A_34 = arith.constant 0 : index
    %get3A_35 = arith.constant 0 : index
    %get3A_36 = vector.load %arg8[%get3A_34, %get3A_35] : memref<1x8xf32, #tpu.memory_space<vmem>>, vector<1x8xf32>
    %add3A_37 = vector.broadcast %get3A_36 : vector<1x8xf32> to vector<1280x8xf32>
    %add3A_38 = arith.addf %dot_general3A_33, %add3A_37 : vector<1280x8xf32>
    %swap3A = arith.constant 0 : index
    %swap3A_39 = arith.constant 0 : index
    %swap3A_40 = vector.load %arg9[%swap3A, %swap3A_39] : memref<1280x8xf32, #tpu.memory_space<vmem>>, vector<1280x8xf32>
    tpu.vector_store %arg9[%swap3A, %swap3A_39], %add3A_38 {strides = array<i32>} : memref<1280x8xf32, #tpu.memory_space<vmem>>, vector<1280x8xf32>,
    return
  }
  func.func @transform_0(%arg0: i32) -> (i32, i32) {
    %c0_i32 = arith.constant 0 : i32
    %c0_i32_0 = arith.constant 0 : i32
    return %arg0, %c0_i32 : i32, i32
  }
  func.func @transform_1(%arg0: i32) -> (i32, i32) {
    %c0_i32 = arith.constant 0 : i32
    %c0_i32_0 = arith.constant 0 : i32
    return %arg0, %c0_i32 : i32, i32
  }
  func.func @transform_2(%arg0: i32) -> (i32, i32) {
    %c0_i32 = arith.constant 0 : i32
    %c0_i32_0 = arith.constant 0 : i32
    return %arg0, %c0_i32 : i32, i32
  }
  func.func @transform_3(%arg0: i32) -> (i32, i32) {
    %c0_i32 = arith.constant 0 : i32
    %c0_i32_0 = arith.constant 0 : i32
    %c0_i32_1 = arith.constant 0 : i32
    return %c0_i32, %c0_i32_0 : i32, i32
  }
  func.func @transform_4(%arg0: i32) -> (i32, i32) {
    %c0_i32 = arith.constant 0 : i32
    %c0_i32_0 = arith.constant 0 : i32
    %c0_i32_1 = arith.constant 0 : i32
    return %c0_i32, %c0_i32_0 : i32, i32
  }
  func.func @transform_5(%arg0: i32) -> (i32, i32) {
    %c0_i32 = arith.constant 0 : i32
    %c0_i32_0 = arith.constant 0 : i32
    %c0_i32_1 = arith.constant 0 : i32
    return %c0_i32, %c0_i32_0 : i32, i32
  }
  func.func @transform_6(%arg0: i32) -> (i32, i32) {
    %c0_i32 = arith.constant 0 : i32
    %c0_i32_0 = arith.constant 0 : i32
    %c0_i32_1 = arith.constant 0 : i32
    return %c0_i32, %c0_i32_0 : i32, i32
  }
  func.func @transform_7(%arg0: i32) -> (i32, i32) {
    %c0_i32 = arith.constant 0 : i32
    %c0_i32_0 = arith.constant 0 : i32
    %c0_i32_1 = arith.constant 0 : i32
    return %c0_i32, %c0_i32_0 : i32, i32
  }
  func.func @transform_8(%arg0: i32) -> (i32, i32) {
    %c0_i32 = arith.constant 0 : i32
    %c0_i32_0 = arith.constant 0 : i32
    return %arg0, %c0_i32 : i32, i32
  }
}

</mosaic_0001>

<sc_bundles>
// kernel: kernel.11.cloned.1.call-start
scs
__scs_entry_jumppad:
0x0: {  	(pc) =	sbr.rel $0x88, $3  }
0x1: {  	(tag) =	ssettag $0x0;
	lr =	simm.s32 $0x1  }
0x2: {  	[smem:$0x3F97] =	sst lr;
	_ =	strace $0xD0000000  }
0x3: {  	_ = 	snop  }
0x4: {  	_ = 	snop  }
0x5: {  	_ = 	snop  }
0x6: {  	_ = 	snop  }
0x7: {  	_ = 	snop  }
__scs_overlays_trampoline_lowered:
0x8: {  	[smem:$0x3FA6] =	sst s0  }
0x9: {  	[smem:$0x3FA7] =	sst s1  }
0xa: {  	[smem:$0x3FA8] =	sst s2  }
0xb: {  	[smem:$0x3FA9] =	sst s3  }
0xc: {  	[smem:$0x3FAA] =	sst s4  }
0xd: {  	[smem:$0x3FAB] =	sst s5  }
0xe: {  	[smem:$0x3FAC] =	sst s6  }
0xf: {  	[smem:$0x3FAD] =	sst s7  }
0x10: {  	[smem:$0x3FAE] =	sst s8  }
0x11: {  	[smem:$0x3FAF] =	sst s9;
	s0 =	simm.s32 @!p0 $0x0  }
0x12: {  	s1 =	sld [smem:$0x3F95];
	s0 =	simm.s32 @p0 $0x1  }
0x13: {  	[smem:$0x3FB0] =	sst s0;
	s0 =	simm.s32 @!p1 $0x0  }
0x14: {  	s2 =	sld [smem:$0x3F94];
	s0 =	simm.s32 @p1 $0x1  }
0x15: {  	[smem:$0x3FB1] =	sst s0;
	s0 =	simm.s32 @!p2 $0x0  }
0x16: {  	s3 =	sld [smem:$0x3FDB];
	s0 =	simm.s32 @p2 $0x1  }
0x17: {  	s4 =	simm.s32 $0x1BF5;
	[smem:$0x3FB3] =	sst s0  }
0x18: {  	s0 =	sld [smem:$0x3F96];
	_ =	swait.ge [sflag:s4], $0x0  }
0x19: {  	s7 =	sld [smem:$0x3F97]  }
0x1a: {  	s8 =	sadd.s32 $0xFFFFE003, lr  }
0x1b: {  	s9 =	sadd.s32 $0xFFFFFEF7, lr;
	s5 =	simm.s32 $0xFFFFFFFF;
	p2 =	slt.u32 s8, $0xFFFFF086  }
0x1c: {  	p1 =	slt.u32 s9, $0xF7A;
	s5 =	simm.s32 @!p2 $0x0  }
0x1d: {  	s5 =	simm.s32 @p1 $0x1;
	p0 =	seq.s32 s7, s2  }
0x1e: {  	s7 =	smul.u32 @!p0 $0xF7A, s2;
	p2 =	seq.s32 @!p0 s5, $0x0  }
0x1f: {  	s9 =	smul.u32 $0xF7A, s1;
	s8 =	simm.s32 @!p0 $0x1BF5;
	p2 =	por !p2, p0  }
0x20: {  	[sflag:s8] =	ssyncset.s32 @!p0 $0xFFFFF086;
	s6 =	sadd.s32 @!p0 s3, s7;
	s7 =	simm.s32 @!p0 $0x108  }
0x21: {  	s3 =	sadd.s32 s3, s9;
	s6 =	sadd.s32 @!p0 $0x88, s6;
	s7 =	simm.s32 @p2 $0x1082  }
0x22: {  	[simem:s7], [sflag:s8] =	dma.local @!p0 [hbm:s6], $0xF7A  }
0x23: {  	s9 =	sor.u32 $0xD0000000, s2;
	s6 =	simm.s32 $0x108;
	_ =	swait.ge @!p0 [sflag:s8], $0x0  }
0x24: {  	s3 =	sadd.s32 $0x88, s3;
	s6 =	simm.s32 @!p1 $0x1082;
	[sflag:s4] =	ssyncset.s32 $0xFFFFF086  }
0x25: {  	[simem:s6], [sflag:s4] =	dma.local [hbm:s3], $0xF7A  }
0x26: {  	[smem:$0x3F97] =	sst s1;
	(tag) =	ssettag s2;
	_ =	strace s9  }
0x27: {  	s1 =	sld [smem:$0x3FA7]  }
0x28: {  	s2 =	sld [smem:$0x3FA8]  }
0x29: {  	s4 =	sld [smem:$0x3FAA]  }
0x2a: {  	p0 =	seq.s32 s5, $0x0;
	s5 =	sld [smem:$0x3FAB]  }
0x2b: {  	s6 =	sld [smem:$0x3FAC]  }
0x2c: {  	s7 =	sld [smem:$0x3FAD]  }
0x2d: {  	s3 =	simm.s32 $0x108;
	s8 =	sld [smem:$0x3FAE]  }
0x2e: {  	s3 =	simm.s32 @!p0 $0x1082;
	s9 =	sld [smem:$0x3FAF]  }
0x2f: {  	lr =	sadd.s32 s0, s3;
	s0 =	sld [smem:$0x3FA6]  }
0x30: {  	s3 =	sld [smem:$0x3FA9]  }
0x31: {  	[smem:$0x3FB2] =	sst s10  }
0x32: {  	s10 =	sld [smem:$0x3FB0];
	_ =	sdelay $0x3  }
0x33: {  	p0 =	seq.s32 s10, $0x1;
	s10 =	sld [smem:$0x3FB2];
	_ =	sdelay $0x3  }
0x34: {  	[smem:$0x3FB2] =	sst s10  }
0x35: {  	s10 =	sld [smem:$0x3FB1];
	_ =	sdelay $0x3  }
0x36: {  	p1 =	seq.s32 s10, $0x1;
	s10 =	sld [smem:$0x3FB2];
	_ =	sdelay $0x3  }
0x37: {  	[smem:$0x3FB2] =	sst s10  }
0x38: {  	s10 =	sld [smem:$0x3FB3]  }
0x39: {  	_ = 	snop;
	(pc) =	sbr.ind lr, $3  }
0x3a: {  	_ = 	snop  }
0x3b: {  	_ = 	snop  }
0x3c: {  	p2 =	seq.s32 s10, $0x1;
	s10 =	sld [smem:$0x3FB2]  }
0x3d: {  	_ =	shalt  }
0x3e: {  	_ =	shalt  }
0x3f: {  	_ =	shalt  }
0x40: {  	_ =	shalt  }
0x41: {  	_ =	shalt  }
0x42: {  	_ =	shalt  }
0x43: {  	_ =	shalt  }
0x44: {  	_ =	shalt  }
0x45: {  	_ =	shalt  }
0x46: {  	_ =	shalt  }
0x47: {  	_ =	shalt  }
0x48: {  	_ =	shalt  }
0x49: {  	_ =	shalt  }
0x4a: {  	_ =	shalt  }
0x4b: {  	_ =	shalt  }
0x4c: {  	_ =	shalt  }
0x4d: {  	_ =	shalt  }
0x4e: {  	_ =	shalt  }
0x4f: {  	_ =	shalt  }
0x50: {  	_ =	shalt  }
0x51: {  	_ =	shalt  }
0x52: {  	_ =	shalt  }
0x53: {  	_ =	shalt  }
0x54: {  	_ =	shalt  }
0x55: {  	_ =	shalt  }
0x56: {  	_ =	shalt  }
0x57: {  	_ =	shalt  }
0x58: {  	_ =	shalt  }
0x59: {  	_ =	shalt  }
0x5a: {  	_ =	shalt  }
0x5b: {  	_ =	shalt  }
0x5c: {  	_ =	shalt  }
0x5d: {  	_ =	shalt  }
0x5e: {  	_ =	shalt  }
0x5f: {  	_ =	shalt  }
0x60: {  	_ =	shalt  }
0x61: {  	_ =	shalt  }
0x62: {  	_ =	shalt  }
0x63: {  	_ =	shalt  }
0x64: {  	_ =	shalt  }
0x65: {  	_ =	shalt  }
0x66: {  	_ =	shalt  }
0x67: {  	_ =	shalt  }
0x68: {  	_ =	shalt  }
0x69: {  	_ =	shalt  }
0x6a: {  	_ =	shalt  }
0x6b: {  	_ =	shalt  }
0x6c: {  	_ =	shalt  }
0x6d: {  	_ =	shalt  }
0x6e: {  	_ =	shalt  }
0x6f: {  	_ =	shalt  }
0x70: {  	_ =	shalt  }
0x71: {  	_ =	shalt  }
0x72: {  	_ =	shalt  }
0x73: {  	_ =	shalt  }
0x74: {  	_ =	shalt  }
0x75: {  	_ =	shalt  }
0x76: {  	_ =	shalt  }
0x77: {  	_ =	shalt  }
0x78: {  	_ =	shalt  }
0x79: {  	_ =	shalt  }
0x7a: {  	_ =	shalt  }
0x7b: {  	_ =	shalt  }
0x7c: {  	_ =	shalt  }
0x7d: {  	_ =	shalt  }
0x7e: {  	_ =	shalt  }
0x7f: {  	_ =	shalt  }
0x80: {  	_ =	shalt  }
0x81: {  	_ =	shalt  }
0x82: {  	_ =	shalt  }
0x83: {  	_ =	shalt  }
0x84: {  	_ =	shalt  }
0x85: {  	_ =	shalt  }
0x86: {  	_ =	shalt  }
0x87: {  	_ =	shalt  }
.Lfunc_end0:
.L_simem_size_0:
called_computation.1_lowered:
.L_overlay_start_0:
0x88: {  	s2 =	sld [smem:$0x3FD9]  }
0x89: {  	s3 =	sld [smem:$0x3FFE];
	_ =	sdelay $0x1  }
0x8a: {  	s1 =	srdreg.scid  }
0x8b: {  	s0 =	sand.u32 $0x1, s1  }
0x8c: {  	s16 =	sshll.u32 s0, $0xA;
	s2 =	sadd.s32 s3, s2  }
0x8d: {  	s2 =	sadd.s32 s2, s16  }
0x8e: {  	[smem:$0x3FBE] =	sst s2  }
0x8f: {  	_ = 	snop  }
0x90: {  	(tm) =	ssettm $0x1  }
0x91: {  	s17 =	sld [smem:$0x3FFB];
	_ =	sdelay $0x3  }
0x92: {  	_ =	strace s17  }
0x93: {  	s2 =	sld [smem:$0x3FFC];
	_ =	sdelay $0x3  }
0x94: {  	_ =	strace s2  }
0x95: {  	s2 =	sld [smem:$0x3FFD];
	_ =	sdelay $0x3  }
0x96: {  	_ =	strace s2  }
0x97: {  	_ =	strace $0x8FFFFFFF  }
0x98: {  	s18 =	sld [smem:$0x3FDB];
	_ =	sdelay $0x1  }
0x99: {  	s19 =	simm.s32 $_scs_section_size  }
0x9a: {  	s4 =	simm.s32 $_size__tile_overlayer_lowered;
	s5 =	simm.s32 $_tile_overlayer_lowered  }
0x9b: {  	s22 =	simm.s32 $0x1BFF;
	s21 =	sshll.u32 s5, $0x1;
	s2 =	sadd.s32 s19, s18  }
0x9c: {  	s6 =	simm.s32 $0x0;
	s20 =	sshll.u32 s4, $0x1;
	s4 =	sadd.s32 s21, s2  }
0x9d: {  	[timem:s6], [sflag:s22] =	dma.local [hbm:s4], s20  }
0x9e: {  	_ =	swait.ge [sflag:s22], s20  }
0x9f: {  	s3 =	ssub.s32 $0x0, s20;
	[sflag:s22] =	ssyncset.done $0x0  }
0xa0: {  	[sflag:s22] =	ssyncadd.s32 s3;
	_ =	sdelay $0x1  }
0xa1: {  	s23 =	simm.s32 $0x1B8B  }
0xa2: {  	_ =	swait.ge [sflag:s23], $0x1  }
0xa3: {  	[sflag:s23] =	ssyncset.done $0x0  }
0xa4: {  	s25 =	simm.s32 $0x1B8E;
	s24 =	sld [smem:$0x3FFE];
	[sflag:s23] =	ssyncadd.s32 $0xFFFFFFFF  }
0xa5: {  	s26 =	simm.s32 $execute0_lowered;
	[smem:$0x3FD2] =	sst s25  }
0xa6: {  	s4 =	sshll.u32 s26, $0x1;
	_ =	strace $0x80000049;
	[dreg:$0x1] =	wrdreg $0xFFFFFFFF  }
0xa7: {  	s28 =	simm.s32 $_size_execute0_lowered;
	s2 =	sadd.s32 s2, s4;
	[dreg:$0x0] =	wrdreg $0x0  }
0xa8: {  	s4 =	sshll.u32 s28, $0x1;
	[dreg:$0x2] =	wrdreg s2  }
0xa9: {  	[dreg:$0x3] =	wrdreg s4  }
0xaa: {  	[dreg:$0x4] =	wrdreg $0xC0  }
0xab: {  	_ =	task [dreg:s6], $0x5FFFF  }
0xac: {  	[dreg:$0x1] =	wrdreg $0xFFFFFFFF  }
0xad: {  	[dreg:$0x0] =	wrdreg $0x60  }
0xae: {  	[dreg:$0x2] =	wrdreg s24  }
0xaf: {  	[dreg:$0x3] =	wrdreg $0x98000  }
0xb0: {  	[dreg:$0x4] =	wrdreg $0x9  }
0xb1: {  	_ =	task.clear_ibuf [dreg:s6], $0x5FFFF;
	_ =	strace $0x90000049  }
0xb2: {  	s29 =	simm.s32 $0x9;
	_ =	strace $0x8000004B  }
0xb3: {  	_ =	swait.ge [sflag:s29], $0x1  }
0xb4: {  	[sflag:s29] =	ssyncadd.s32 $0xFFFFFFFF  }
0xb5: {  	_ =	strace $0x9000004B  }
0xb6: {  	_ =	sfence  }
0xb7: {  	s30 =	sld [smem:$0x0];
	_ =	sdelay $0x2  }
0xb8: {  	s31 =	sshll.u32 s1, $0xD;
	s1 =	sshrl.u32 s1, $0x2  }
0xb9: {  	s3 =	sand.u32 $0x4000, s31;
	s1 =	sadd.s32 s1, s30  }
0xba: {  	s0 =	sor.u32 s3, s0;
	s1 =	sshll.u32 s1, $0x11  }
0xbb: {  	s0 =	sor.u32 s1, s0  }
0xbc: {  	s0 =	sadd.s32 $0x8F2B, s0  }
0xbd: {  	[sflag:s0] =	ssyncadd.remote.s32 $0x1  }
0xbe: {  	_ =	sfence.sel $0xFFFF  }
0xbf: {  	[dreg:$0x0] =	wrdreg $0xFFFFFFFF;
	(pc) =	sbr.abs _section_cstart, $3  }
0xc0: {  	[dreg:$0x1] =	wrdreg $0xFFFFFFFF  }
0xc1: {  	_ =	task.clear_ibuf [dreg:s6], $0x2FFFF;
	_ =	strace $0x9FFFFFFF  }
0xc2: {  	(tm) =	ssettm $0x7FFFFFFF  }
0xc3: {  	_ =	shalt  }
tec
execute0_lowered:
.L_overlay_start_1:
0x0: {  	(tag) =	ssettag $0x1  }
0x1: {  	s0 =	rddreg [dreg:$0x0]  }
0x2: {  	s1 =	srdreg.scid;
	s9 =	stileid.u32  }
0x3: {  	s2 =	rddreg [dreg:$0x1];
	s3 =	simm.s32 $0x0;
	s28 =	simm.s32 $0x6800  }
0x4: {  	s30 =	simm.s32 $0x7800;
	s29 =	simm.s32 $0x2;
	s31 =	simm.s32 $0x3  }
0x5: {  	s10 =	simm.s32 $0x8;
	s1 =	sand.u32 $0x1, s1;
	s8 =	smul.u32 $0x14000, s9  }
0x6: {  	s4 =	sshll.u32 s9, $0x1;
	[smem:$0x7FF] =	sst s3;
	s9 =	smul.u32 $0x5000, s9  }
0x7: {  	s4 =	sor.u32 s1, s4;
	s6 =	ssub.s32 $0x2, s1;
	s1 =	smul.u32 $0x50000, s1  }
0x8: {  	_ =	strace $0x8000004A;
	s5 =	smul.u32 $0x580, s4;
	s4 =	sadd.s32 $0xD400, s0  }
0x9: {  	s7 =	sshrl.u32 s6, $0x1;
	s12 =	sshrl.u32 s8, $0x2;
	s13 =	sadd.s32 s9, s2  }
0xa: {  	s19 =	sadd.s32 $0x1000, s9;
	s22 =	sadd.s32 $0x2000, s9;
	s24 =	sadd.s32 $0x3000, s9  }
0xb: {  	s25 =	sadd.s32 $0x4000, s9;
	s8 =	simm.s32 $0x6;
	s6 =	ssub.s32 s6, s7  }
0xc: {  	s7 =	sadd.s32 s12, s2;
	[dreg:$0x5] =	wrdreg s13;
	s17 =	sadd.s32 s1, s9  }
0xd: {  	s21 =	sadd.s32 s1, s19;
	s23 =	sadd.s32 s1, s22;
	s26 =	sadd.s32 s1, s24  }
0xe: {  	s1 =	sadd.s32 s1, s25;
	s9 =	simm.s32 $0x7;
	s14 =	smax.u32 s6, $0x1  }
0xf: {  	s5 =	sadd.s32 s5, s0;
	s15 =	sadd.s32 $0x1000, s7;
	[dreg:$0x6] =	wrdreg s14  }
0x10: {  	s0 =	sadd.s32 $0x22400, s0;
	s16 =	sadd.s32 $0x2000, s7;
	[dreg:$0x7] =	wrdreg s15  }
0x11: {  	s18 =	sadd.s32 $0x3000, s7;
	s20 =	sadd.s32 $0x4000, s7;
	[dreg:$0x8] =	wrdreg s16  }
0x12: {  	s1 =	sshrl.u32 s1, $0x3;
	s6 =	simm.s32 $0x5;
	[dreg:$0x9] =	wrdreg s18  }
0x13: {  	s11 =	sadd.s32 $0x17400, s5;
	s5 =	sadd.s32 $0x2400, s5;
	[dreg:$0xa] =	wrdreg s20  }
0x14: {  	s15 =	sadd.s32 s19, s2;
	s19 =	sadd.s32 s24, s2;
	[dreg:$0x3] =	wrdreg s11  }
0x15: {  	s24 =	simm.s32 $0x2C00;
	[dreg:$0x4] =	wrdreg s5;
	s5 =	sshrl.u32 s17, $0x3  }
0x16: {  	s17 =	sadd.s32 s22, s2;
	s22 =	sadd.s32 s0, s1;
	s5 =	sadd.s32 s0, s5  }
0x17: {  	s1 =	simm.s32 $0x8800;
	s11 =	simm.s32 $0x0;
	[dreg:$0xb] =	wrdreg s5  }
0x18: {  	s5 =	sshrl.u32 s21, $0x3;
	s21 =	sadd.s32 s25, s2;
	s25 =	simm.s32 $0x5800  }
0x19: {  	s16 =	sadd.s32 s0, s5;
	s5 =	sshrl.u32 s23, $0x3;
	s23 =	simm.s32 $0x9  }
0x1a: {  	s18 =	sadd.s32 s0, s5;
	s5 =	sshrl.u32 s26, $0x3;
	s26 =	simm.s32 $0x80  }
0x1b: {  	v0 =	vimm.f32 $0.0e+00;
	s20 =	sadd.s32 s0, s5;
	s0 =	simm.s32 $0x1;
	s5 =	simm.s32 $0x4  }
.LBB2_1:
0x1c: {  	s12 =	rddreg [dreg:$0x3]  }
0x1d: {  	[tilespmem:s3], [sflag:$0x9] =	stream.linear.gather [hbm4b:s12+s3], $0x2C00, $0x38;
	[tilespmem:$0xE800] =	vst v63  }
0x1e: {  	_ =	swait.ge [sflag:s23], $0x2C00  }
0x1f: {  	[sflag:s23] =	ssyncset.done $0x0  }
0x20: {  	s14 =	rddreg [dreg:$0x4];
	[sflag:s23] =	ssyncadd.s32 $0xFFFFD400  }
0x21: {  	[tilespmem:s24], [sflag:$0x9] =	stream.linear.gather [hbm4b:s14+s3], $0x2C00, $0x38;
	[tilespmem:$0xE800] =	vst v63  }
0x22: {  	_ =	swait.ge [sflag:s23], $0x2C00  }
0x23: {  	[sflag:s23] =	ssyncset.done $0x0  }
0x24: {  	s13 =	simm.s32 $0x0;
	s12 =	simm.s32 $0x80;
	[sflag:s23] =	ssyncadd.s32 $0xFFFFD400  }
.LBB2_2:
0x25: {  	p0 =	sne.s32 s12, $0x3F80;
	[tilespmem:s13+$0x5800] =	vst v0;
	s14 =	smov.u32 s12;
	s12 =	sadd.s32 $0x80, s12  }
.Ltmp0:
0x26: {  	[tilespmem:s13+$0x5810] =	vst v0;
	(pc) =	sbr.rel @p0 .LBB2_2-.Ltmp0, $2  }
0x27: {  	_ =	sdelay $0x2  }
0x28: {  	s13 =	sshra.s32 s14, $0x2  }
0x29: {  	[tilespmem:s13+$0x5800] =	vst v0  }
0x2a: {  	[tilespmem:s13+$0x5810] =	vst v0  }
0x2b: {  	[spmem:s7] =	stream.linear.scatter [tilespmem:s25], [sflag:$0x9], $0x1000, $0x38;
	[tilespmem:$0xE800] =	vst v63  }
0x2c: {  	_ =	swait.ge [sflag:s23], $0x1000  }
0x2d: {  	[sflag:s23] =	ssyncset.done $0x0  }
0x2e: {  	s12 =	rddreg [dreg:$0x7];
	[sflag:s23] =	ssyncadd.s32 $0xFFFFF000  }
0x2f: {  	[spmem:s12] =	stream.linear.scatter [tilespmem:s25], [sflag:$0x9], $0x1000, $0x38;
	[tilespmem:$0xE800] =	vst v63  }
0x30: {  	_ =	swait.ge [sflag:s23], $0x1000  }
0x31: {  	[sflag:s23] =	ssyncset.done $0x0  }
0x32: {  	s13 =	rddreg [dreg:$0x8];
	[sflag:s23] =	ssyncadd.s32 $0xFFFFF000  }
0x33: {  	[spmem:s13] =	stream.linear.scatter [tilespmem:s25], [sflag:$0x9], $0x1000, $0x38;
	[tilespmem:$0xE800] =	vst v63  }
0x34: {  	_ =	swait.ge [sflag:s23], $0x1000  }
0x35: {  	[sflag:s23] =	ssyncset.done $0x0  }
0x36: {  	s14 =	rddreg [dreg:$0x9];
	[sflag:s23] =	ssyncadd.s32 $0xFFFFF000  }
0x37: {  	[spmem:s14] =	stream.linear.scatter [tilespmem:s25], [sflag:$0x9], $0x1000, $0x38;
	[tilespmem:$0xE800] =	vst v63  }
0x38: {  	_ =	swait.ge [sflag:s23], $0x1000  }
0x39: {  	[sflag:s23] =	ssyncset.done $0x0  }
0x3a: {  	s13 =	rddreg [dreg:$0xa];
	[sflag:s23] =	ssyncadd.s32 $0xFFFFF000  }
0x3b: {  	[spmem:s13] =	stream.linear.scatter [tilespmem:s25], [sflag:$0x9], $0x1000, $0x38;
	[tilespmem:$0xE800] =	vst v63  }
0x3c: {  	_ =	swait.ge [sflag:s23], $0x1000  }
0x3d: {  	[sflag:s23] =	ssyncset.done $0x0  }
0x3e: {  	[sflag:s23] =	ssyncadd.s32 $0xFFFFF000  }
0x3f: {  	s14 =	simm.s32 $0x0;
	[bflag:$0x0] =	sbarrier.arrive $0xFFFF  }
0x40: {  	[tilespmem:s25], [sflag:$0x1] =	stream.indirect.gather [hbm4b:s4+s26], $0x20, s14, s26, $0xb8;
	[tilespmem:$0xE800] =	vst v63  }
0x41: {  	_ = 	snop  }
0x42: {  	[tilespmem:s28], [sflag:$0x2] =	stream.indirect.gather [hbm4b:s4+s26], $0x20, s26, s26, $0xb8;
	[tilespmem:$0xE800] =	vst v63  }
0x43: {  	s13 =	simm.s32 $0x100  }
0x44: {  	[tilespmem:s30], [sflag:$0x3] =	stream.indirect.gather [hbm4b:s4+s26], $0x20, s13, s26, $0xb8;
	[tilespmem:$0xE800] =	vst v63  }
0x45: {  	s14 =	simm.s32 $0x180  }
0x46: {  	[tilespmem:s1], [sflag:$0x4] =	stream.indirect.gather [hbm4b:s4+s26], $0x20, s14, s26, $0xb8;
	[tilespmem:$0xE800] =	vst v63  }
0x47: {  	_ =	swait.ge [sflag:s0], $0x1000  }
0x48: {  	[sflag:s0] =	ssyncset.done $0x0  }
0x49: {  	[sflag:s0] =	ssyncadd.s32 $0xFFFFF000  }
0x4a: {  	[spmem:s2] =	stream.indirect.scatter.add.f32 [tilespmem:s25], [sflag:$0x5], $0x20, s24, s26, $0xb8;
	[tilespmem:$0xE800] =	vst v63  }
0x4b: {  	_ =	swait.ge [sflag:s29], $0x1000  }
0x4c: {  	[sflag:s29] =	ssyncset.done $0x0  }
0x4d: {  	s13 =	simm.s32 $0x2C80;
	[sflag:s29] =	ssyncadd.s32 $0xFFFFF000  }
0x4e: {  	[spmem:s2] =	stream.indirect.scatter.add.f32 [tilespmem:s28], [sflag:$0x6], $0x20, s13, s26, $0xb8;
	[tilespmem:$0xE800] =	vst v63  }
0x4f: {  	_ =	swait.ge [sflag:s31], $0x1000  }
0x50: {  	[sflag:s31] =	ssyncset.done $0x0  }
0x51: {  	s14 =	simm.s32 $0x2D00;
	[sflag:s31] =	ssyncadd.s32 $0xFFFFF000  }
0x52: {  	[spmem:s2] =	stream.indirect.scatter.add.f32 [tilespmem:s30], [sflag:$0x7], $0x20, s14, s26, $0xb8;
	[tilespmem:$0xE800] =	vst v63  }
0x53: {  	_ =	swait.ge [sflag:s5], $0x1000  }
0x54: {  	[sflag:s5] =	ssyncset.done $0x0  }
0x55: {  	s13 =	simm.s32 $0x2D80;
	[sflag:s5] =	ssyncadd.s32 $0xFFFFF000  }
0x56: {  	[spmem:s2] =	stream.indirect.scatter.add.f32 [tilespmem:s1], [sflag:$0x8], $0x20, s13, s26, $0xb8;
	[tilespmem:$0xE800] =	vst v63  }
0x57: {  	_ =	swait.ge [sflag:s6], $0x1000  }
0x58: {  	[sflag:s6] =	ssyncset.done $0x0  }
0x59: {  	s14 =	simm.s32 $0x200;
	[sflag:s6] =	ssyncadd.s32 $0xFFFFF000  }
0x5a: {  	[tilespmem:s25], [sflag:$0x1] =	stream.indirect.gather [hbm4b:s4+s26], $0x20, s14, s26, $0xb8;
	[tilespmem:$0xE800] =	vst v63  }
0x5b: {  	_ =	swait.ge [sflag:s8], $0x1000  }
0x5c: {  	[sflag:s8] =	ssyncset.done $0x0  }
0x5d: {  	s13 =	simm.s32 $0x280;
	[sflag:s8] =	ssyncadd.s32 $0xFFFFF000  }
0x5e: {  	[tilespmem:s28], [sflag:$0x2] =	stream.indirect.gather [hbm4b:s4+s26], $0x20, s13, s26, $0xb8;
	[tilespmem:$0xE800] =	vst v63  }
0x5f: {  	_ =	swait.ge [sflag:s9], $0x1000  }
0x60: {  	[sflag:s9] =	ssyncset.done $0x0  }
0x61: {  	s14 =	simm.s32 $0x300;
	[sflag:s9] =	ssyncadd.s32 $0xFFFFF000  }
0x62: {  	[tilespmem:s30], [sflag:$0x3] =	stream.indirect.gather [hbm4b:s4+s26], $0x20, s14, s26, $0xb8;
	[tilespmem:$0xE800] =	vst v63  }
0x63: {  	_ =	swait.ge [sflag:s10], $0x1000  }
0x64: {  	[sflag:s10] =	ssyncset.done $0x0  }
0x65: {  	s13 =	simm.s32 $0x380;
	[sflag:s10] =	ssyncadd.s32 $0xFFFFF000  }
0x66: {  	[tilespmem:s1], [sflag:$0x4] =	stream.indirect.gather [hbm4b:s4+s26], $0x20, s13, s26, $0xb8;
	[tilespmem:$0xE800] =	vst v63  }
0x67: {  	_ =	swait.ge [sflag:s0], $0x1000  }
0x68: {  	[sflag:s0] =	ssyncset.done $0x0  }
0x69: {  	s14 =	simm.s32 $0x2E00;
	[sflag:s0] =	ssyncadd.s32 $0xFFFFF000  }
0x6a: {  	[spmem:s2] =	stream.indirect.scatter.add.f32 [tilespmem:s25], [sflag:$0x5], $0x20, s14, s26, $0xb8;
	[tilespmem:$0xE800] =	vst v63  }
0x6b: {  	_ =	swait.ge [sflag:s29], $0x1000  }
0x6c: {  	[sflag:s29] =	ssyncset.done $0x0  }
0x6d: {  	s13 =	simm.s32 $0x2E80;
	[sflag:s29] =	ssyncadd.s32 $0xFFFFF000  }
0x6e: {  	[spmem:s2] =	stream.indirect.scatter.add.f32 [tilespmem:s28], [sflag:$0x6], $0x20, s13, s26, $0xb8;
	[tilespmem:$0xE800] =	vst v63  }
0x6f: {  	_ =	swait.ge [sflag:s31], $0x1000  }
0x70: {  	[sflag:s31] =	ssyncset.done $0x0  }
0x71: {  	s14 =	simm.s32 $0x2F00;
	[sflag:s31] =	ssyncadd.s32 $0xFFFFF000  }
0x72: {  	[spmem:s2] =	stream.indirect.scatter.add.f32 [tilespmem:s30], [sflag:$0x7], $0x20, s14, s26, $0xb8;
	[tilespmem:$0xE800] =	vst v63  }
0x73: {  	_ =	swait.ge [sflag:s5], $0x1000  }
0x74: {  	[sflag:s5] =	ssyncset.done $0x0  }
0x75: {  	s12 =	simm.s32 $0x800;
	s13 =	simm.s32 $0x2F80;
	[sflag:s5] =	ssyncadd.s32 $0xFFFFF000  }
.LBB2_4:
0x76: {  	[spmem:s2] =	stream.indirect.scatter.add.f32 [tilespmem:s1], [sflag:$0x8], $0x20, s13, s26, $0xb8;
	[tilespmem:$0xE800] =	vst v63  }
0x77: {  	s13 =	smov.u32 s12  }
0x78: {  	p0 =	sne.s32 s12, $0xA000;
	s12 =	sadd.s32 $0x800, s12;
	_ =	swait.ge [sflag:s6], $0x1000  }
0x79: {  	s13 =	sshra.s32 s13, $0x2;
	[sflag:s6] =	ssyncset.done $0x0  }
0x7a: {  	s14 =	sadd.s32 $0x200, s13;
	[sflag:s6] =	ssyncadd.s32 $0xFFFFF000  }
0x7b: {  	[tilespmem:s25], [sflag:$0x1] =	stream.indirect.gather [hbm4b:s4+s26], $0x20, s14, s26, $0xb8;
	[tilespmem:$0xE800] =	vst v63  }
0x7c: {  	_ =	swait.ge [sflag:s8], $0x1000  }
0x7d: {  	[sflag:s8] =	ssyncset.done $0x0  }
0x7e: {  	s14 =	sadd.s32 $0x280, s13;
	[sflag:s8] =	ssyncadd.s32 $0xFFFFF000  }
0x7f: {  	[tilespmem:s28], [sflag:$0x2] =	stream.indirect.gather [hbm4b:s4+s26], $0x20, s14, s26, $0xb8;
	[tilespmem:$0xE800] =	vst v63  }
0x80: {  	_ =	swait.ge [sflag:s9], $0x1000  }
0x81: {  	[sflag:s9] =	ssyncset.done $0x0  }
0x82: {  	s14 =	sadd.s32 $0x300, s13;
	[sflag:s9] =	ssyncadd.s32 $0xFFFFF000  }
0x83: {  	[tilespmem:s30], [sflag:$0x3] =	stream.indirect.gather [hbm4b:s4+s26], $0x20, s14, s26, $0xb8;
	[tilespmem:$0xE800] =	vst v63  }
0x84: {  	_ =	swait.ge [sflag:s10], $0x1000  }
0x85: {  	[sflag:s10] =	ssyncset.done $0x0  }
0x86: {  	s14 =	sadd.s32 $0x380, s13;
	[sflag:s10] =	ssyncadd.s32 $0xFFFFF000  }
0x87: {  	[tilespmem:s1], [sflag:$0x4] =	stream.indirect.gather [hbm4b:s4+s26], $0x20, s14, s26, $0xb8;
	[tilespmem:$0xE800] =	vst v63  }
0x88: {  	_ =	swait.ge [sflag:s0], $0x1000  }
0x89: {  	[sflag:s0] =	ssyncset.done $0x0  }
0x8a: {  	s14 =	sadd.s32 $0x2E00, s13;
	[sflag:s0] =	ssyncadd.s32 $0xFFFFF000  }
0x8b: {  	[spmem:s2] =	stream.indirect.scatter.add.f32 [tilespmem:s25], [sflag:$0x5], $0x20, s14, s26, $0xb8;
	[tilespmem:$0xE800] =	vst v63  }
0x8c: {  	_ =	swait.ge [sflag:s29], $0x1000  }
0x8d: {  	[sflag:s29] =	ssyncset.done $0x0  }
0x8e: {  	s14 =	sadd.s32 $0x2E80, s13;
	[sflag:s29] =	ssyncadd.s32 $0xFFFFF000  }
0x8f: {  	[spmem:s2] =	stream.indirect.scatter.add.f32 [tilespmem:s28], [sflag:$0x6], $0x20, s14, s26, $0xb8;
	[tilespmem:$0xE800] =	vst v63  }
0x90: {  	_ =	swait.ge [sflag:s31], $0x1000  }
0x91: {  	[sflag:s31] =	ssyncset.done $0x0  }
.Ltmp1:
0x92: {  	s14 =	sadd.s32 $0x2F00, s13;
	[sflag:s31] =	ssyncadd.s32 $0xFFFFF000;
	(pc) =	sbr.rel @p0 .LBB2_4-.Ltmp1, $4  }
0x93: {  	[spmem:s2] =	stream.indirect.scatter.add.f32 [tilespmem:s30], [sflag:$0x7], $0x20, s14, s26, $0xb8;
	[tilespmem:$0xE800] =	vst v63  }
0x94: {  	_ =	swait.ge [sflag:s5], $0x1000  }
0x95: {  	[sflag:s5] =	ssyncset.done $0x0  }
0x96: {  	s13 =	sadd.s32 $0x2F80, s13;
	[sflag:s5] =	ssyncadd.s32 $0xFFFFF000  }
0x97: {  	[spmem:s2] =	stream.indirect.scatter.add.f32 [tilespmem:s1], [sflag:$0x8], $0x20, s13, s26, $0xb8;
	[tilespmem:$0xE800] =	vst v63  }
0x98: {  	_ =	swait.ge [sflag:s6], $0x1000  }
0x99: {  	[sflag:s6] =	ssyncset.done $0x0  }
0x9a: {  	[sflag:s6] =	ssyncadd.s32 $0xFFFFF000  }
0x9b: {  	_ =	swait.ge [sflag:s8], $0x1000  }
0x9c: {  	[sflag:s8] =	ssyncset.done $0x0  }
0x9d: {  	[sflag:s8] =	ssyncadd.s32 $0xFFFFF000  }
0x9e: {  	_ =	swait.ge [sflag:s9], $0x1000  }
0x9f: {  	[sflag:s9] =	ssyncset.done $0x0  }
0xa0: {  	[sflag:s9] =	ssyncadd.s32 $0xFFFFF000  }
0xa1: {  	_ =	swait.ge [sflag:s10], $0x1000  }
0xa2: {  	[sflag:s10] =	ssyncset.done $0x0  }
0xa3: {  	[sflag:s10] =	ssyncadd.s32 $0xFFFFF000  }
0xa4: {  	[bflag:$0x0] =	sbarrier.arrive $0xFFFF  }
0xa5: {  	s12 =	rddreg [dreg:$0x5]  }
0xa6: {  	[tilespmem:s25], [sflag:$0x9] =	stream.linear.gather [spmem:s12], $0x1000, $0x38;
	[tilespmem:$0xE800] =	vst v63  }
0xa7: {  	_ =	swait.ge [sflag:s23], $0x1000  }
0xa8: {  	[sflag:s23] =	ssyncset.done $0x0  }
0xa9: {  	s13 =	rddreg [dreg:$0xb];
	[sflag:s23] =	ssyncadd.s32 $0xFFFFF000  }
0xaa: {  	[hbm4b:s13+s3] =	stream.linear.scatter [tilespmem:s25], [sflag:$0x9], $0x1000, $0x38;
	[tilespmem:$0xE800] =	vst v63  }
0xab: {  	_ =	swait.ge [sflag:s23], $0x1000  }
0xac: {  	[sflag:s23] =	ssyncset.done $0x0  }
0xad: {  	[sflag:s23] =	ssyncadd.s32 $0xFFFFF000  }
0xae: {  	[tilespmem:s25], [sflag:$0x9] =	stream.linear.gather [spmem:s15], $0x1000, $0x38;
	[tilespmem:$0xE800] =	vst v63  }
0xaf: {  	_ =	swait.ge [sflag:s23], $0x1000  }
0xb0: {  	[sflag:s23] =	ssyncset.done $0x0  }
0xb1: {  	[sflag:s23] =	ssyncadd.s32 $0xFFFFF000  }
0xb2: {  	[hbm4b:s16+s3] =	stream.linear.scatter [tilespmem:s25], [sflag:$0x9], $0x1000, $0x38;
	[tilespmem:$0xE800] =	vst v63  }
0xb3: {  	_ =	swait.ge [sflag:s23], $0x1000  }
0xb4: {  	[sflag:s23] =	ssyncset.done $0x0  }
0xb5: {  	[sflag:s23] =	ssyncadd.s32 $0xFFFFF000  }
0xb6: {  	[tilespmem:s25], [sflag:$0x9] =	stream.linear.gather [spmem:s17], $0x1000, $0x38;
	[tilespmem:$0xE800] =	vst v63  }
0xb7: {  	_ =	swait.ge [sflag:s23], $0x1000  }
0xb8: {  	[sflag:s23] =	ssyncset.done $0x0  }
0xb9: {  	[sflag:s23] =	ssyncadd.s32 $0xFFFFF000  }
0xba: {  	[hbm4b:s18+s3] =	stream.linear.scatter [tilespmem:s25], [sflag:$0x9], $0x1000, $0x38;
	[tilespmem:$0xE800] =	vst v63  }
0xbb: {  	_ =	swait.ge [sflag:s23], $0x1000  }
0xbc: {  	[sflag:s23] =	ssyncset.done $0x0  }
0xbd: {  	[sflag:s23] =	ssyncadd.s32 $0xFFFFF000  }
0xbe: {  	[tilespmem:s25], [sflag:$0x9] =	stream.linear.gather [spmem:s19], $0x1000, $0x38;
	[tilespmem:$0xE800] =	vst v63  }
0xbf: {  	_ =	swait.ge [sflag:s23], $0x1000  }
0xc0: {  	[sflag:s23] =	ssyncset.done $0x0  }
0xc1: {  	[sflag:s23] =	ssyncadd.s32 $0xFFFFF000  }
0xc2: {  	[hbm4b:s20+s3] =	stream.linear.scatter [tilespmem:s25], [sflag:$0x9], $0x1000, $0x38;
	[tilespmem:$0xE800] =	vst v63  }
0xc3: {  	_ =	swait.ge [sflag:s23], $0x1000  }
0xc4: {  	[sflag:s23] =	ssyncset.done $0x0  }
0xc5: {  	[sflag:s23] =	ssyncadd.s32 $0xFFFFF000  }
0xc6: {  	[tilespmem:s25], [sflag:$0x9] =	stream.linear.gather [spmem:s21], $0x1000, $0x38;
	[tilespmem:$0xE800] =	vst v63  }
0xc7: {  	_ =	swait.ge [sflag:s23], $0x1000  }
0xc8: {  	[sflag:s23] =	ssyncset.done $0x0  }
0xc9: {  	[sflag:s23] =	ssyncadd.s32 $0xFFFFF000  }
0xca: {  	[hbm4b:s22+s3] =	stream.linear.scatter [tilespmem:s25], [sflag:$0x9], $0x1000, $0x38;
	[tilespmem:$0xE800] =	vst v63  }
0xcb: {  	_ =	swait.ge [sflag:s23], $0x1000  }
0xcc: {  	s11 =	sadd.s32 $0x1, s11;
	s14 =	rddreg [dreg:$0x6]  }
0xcd: {  	p0 =	sne.s32 s11, s14  }
.Ltmp2:
0xce: {  	_ = 	snop;
	(pc) =	sbr.rel @p0 .LBB2_1-.Ltmp2, $3  }
0xcf: {  	_ =	sdelay $0x1  }
0xd0: {  	[sflag:s23] =	ssyncset.done $0x0  }
0xd1: {  	[sflag:s23] =	ssyncadd.s32 $0xFFFFF000  }
0xd2: {  	_ =	sfence.sel $0x180000  }
0xd3: {  	[bflag:$0x0] =	sbarrier.arrive $0xFFFF  }
0xd4: {  	_ =	strace $0x9000004A  }
0xd5: {  	s0 =	stileid.u32;
	[bflag:$0x2] =	sbarrier.arrive $0xFFFF  }
0xd6: {  	p0 =	sne.s32 s0, $0x0;
	s0 =	rddreg [dreg:$0x2]  }
0xd7: {  	s0 =	sadd.s32 @!p0 $0x100000, s0  }
0xd8: {  	[sflag:s0] =	ssyncadd.tile.s32 @!p0 $0x1;
	_ =	shalt  }
.Lfunc_end2:
_tile_overlayer_lowered:
.L_overlay_start_2:
0xd9: {  	(tag) =	ssettag $0x2  }
0xda: {  	s0 =	rddreg [dreg:$0x0];
	s2 =	stileid.u32  }
0xdb: {  	s1 =	rddreg [dreg:$0x1];
	p0 =	sne.s32 s2, $0x0  }
0xdc: {  	s3 =	rddreg [dreg:$0x2];
	[bflag:$0x3] =	sbarrier.arrive $0xFFFF;
	s2 =	simm.s32 @!p0 $0x1C09  }
0xdd: {  	[timem:s3], [sflag:s2] =	dma.local @!p0 [hbm:s0], s1  }
0xde: {  	s0 =	simm.s32 @!p0 $0x9  }
0xdf: {  	_ =	swait.ge @!p0 [sflag:s0], s1  }
0xe0: {  	s1 =	ssub.s32 @!p0 $0x0, s1;
	[sflag:s0] =	ssyncset.done @!p0 $0x0  }
0xe1: {  	[sflag:s0] =	ssyncadd.s32 @!p0 s1  }
0xe2: {  	[bflag:$0x3] =	sbarrier.arrive $0xFFFF  }
0xe3: {  	_ =	shalt  }

// kernel: kernel.14.cloned.1.call-start
scs
__scs_entry_jumppad:
0x0: {  	(pc) =	sbr.rel $0x88, $3  }
0x1: {  	(tag) =	ssettag $0x0;
	lr =	simm.s32 $0x1  }
0x2: {  	[smem:$0x3F97] =	sst lr;
	_ =	strace $0xD0000000  }
0x3: {  	_ = 	snop  }
0x4: {  	_ = 	snop  }
0x5: {  	_ = 	snop  }
0x6: {  	_ = 	snop  }
0x7: {  	_ = 	snop  }
__scs_overlays_trampoline_lowered:
0x8: {  	[smem:$0x3FA6] =	sst s0  }
0x9: {  	[smem:$0x3FA7] =	sst s1  }
0xa: {  	[smem:$0x3FA8] =	sst s2  }
0xb: {  	[smem:$0x3FA9] =	sst s3  }
0xc: {  	[smem:$0x3FAA] =	sst s4  }
0xd: {  	[smem:$0x3FAB] =	sst s5  }
0xe: {  	[smem:$0x3FAC] =	sst s6  }
0xf: {  	[smem:$0x3FAD] =	sst s7  }
0x10: {  	[smem:$0x3FAE] =	sst s8  }
0x11: {  	[smem:$0x3FAF] =	sst s9;
	s0 =	simm.s32 @!p0 $0x0  }
0x12: {  	s1 =	sld [smem:$0x3F95];
	s0 =	simm.s32 @p0 $0x1  }
0x13: {  	[smem:$0x3FB0] =	sst s0;
	s0 =	simm.s32 @!p1 $0x0  }
0x14: {  	s2 =	sld [smem:$0x3F94];
	s0 =	simm.s32 @p1 $0x1  }
0x15: {  	[smem:$0x3FB1] =	sst s0;
	s0 =	simm.s32 @!p2 $0x0  }
0x16: {  	s3 =	sld [smem:$0x3FDB];
	s0 =	simm.s32 @p2 $0x1  }
0x17: {  	s4 =	simm.s32 $0x1BF5;
	[smem:$0x3FB3] =	sst s0  }
0x18: {  	s0 =	sld [smem:$0x3F96];
	_ =	swait.ge [sflag:s4], $0x0  }
0x19: {  	s7 =	sld [smem:$0x3F97]  }
0x1a: {  	s8 =	sadd.s32 $0xFFFFE003, lr  }
0x1b: {  	s9 =	sadd.s32 $0xFFFFFEF7, lr;
	s5 =	simm.s32 $0xFFFFFFFF;
	p2 =	slt.u32 s8, $0xFFFFF086  }
0x1c: {  	p1 =	slt.u32 s9, $0xF7A;
	s5 =	simm.s32 @!p2 $0x0  }
0x1d: {  	s5 =	simm.s32 @p1 $0x1;
	p0 =	seq.s32 s7, s2  }
0x1e: {  	s7 =	smul.u32 @!p0 $0xF7A, s2;
	p2 =	seq.s32 @!p0 s5, $0x0  }
0x1f: {  	s9 =	smul.u32 $0xF7A, s1;
	s8 =	simm.s32 @!p0 $0x1BF5;
	p2 =	por !p2, p0  }
0x20: {  	[sflag:s8] =	ssyncset.s32 @!p0 $0xFFFFF086;
	s6 =	sadd.s32 @!p0 s3, s7;
	s7 =	simm.s32 @!p0 $0x108  }
0x21: {  	s3 =	sadd.s32 s3, s9;
	s6 =	sadd.s32 @!p0 $0x88, s6;
	s7 =	simm.s32 @p2 $0x1082  }
0x22: {  	[simem:s7], [sflag:s8] =	dma.local @!p0 [hbm:s6], $0xF7A  }
0x23: {  	s9 =	sor.u32 $0xD0000000, s2;
	s6 =	simm.s32 $0x108;
	_ =	swait.ge @!p0 [sflag:s8], $0x0  }
0x24: {  	s3 =	sadd.s32 $0x88, s3;
	s6 =	simm.s32 @!p1 $0x1082;
	[sflag:s4] =	ssyncset.s32 $0xFFFFF086  }
0x25: {  	[simem:s6], [sflag:s4] =	dma.local [hbm:s3], $0xF7A  }
0x26: {  	[smem:$0x3F97] =	sst s1;
	(tag) =	ssettag s2;
	_ =	strace s9  }
0x27: {  	s1 =	sld [smem:$0x3FA7]  }
0x28: {  	s2 =	sld [smem:$0x3FA8]  }
0x29: {  	s4 =	sld [smem:$0x3FAA]  }
0x2a: {  	p0 =	seq.s32 s5, $0x0;
	s5 =	sld [smem:$0x3FAB]  }
0x2b: {  	s6 =	sld [smem:$0x3FAC]  }
0x2c: {  	s7 =	sld [smem:$0x3FAD]  }
0x2d: {  	s3 =	simm.s32 $0x108;
	s8 =	sld [smem:$0x3FAE]  }
0x2e: {  	s3 =	simm.s32 @!p0 $0x1082;
	s9 =	sld [smem:$0x3FAF]  }
0x2f: {  	lr =	sadd.s32 s0, s3;
	s0 =	sld [smem:$0x3FA6]  }
0x30: {  	s3 =	sld [smem:$0x3FA9]  }
0x31: {  	[smem:$0x3FB2] =	sst s10  }
0x32: {  	s10 =	sld [smem:$0x3FB0];
	_ =	sdelay $0x3  }
0x33: {  	p0 =	seq.s32 s10, $0x1;
	s10 =	sld [smem:$0x3FB2];
	_ =	sdelay $0x3  }
0x34: {  	[smem:$0x3FB2] =	sst s10  }
0x35: {  	s10 =	sld [smem:$0x3FB1];
	_ =	sdelay $0x3  }
0x36: {  	p1 =	seq.s32 s10, $0x1;
	s10 =	sld [smem:$0x3FB2];
	_ =	sdelay $0x3  }
0x37: {  	[smem:$0x3FB2] =	sst s10  }
0x38: {  	s10 =	sld [smem:$0x3FB3]  }
0x39: {  	_ = 	snop;
	(pc) =	sbr.ind lr, $3  }
0x3a: {  	_ = 	snop  }
0x3b: {  	_ = 	snop  }
0x3c: {  	p2 =	seq.s32 s10, $0x1;
	s10 =	sld [smem:$0x3FB2]  }
0x3d: {  	_ =	shalt  }
0x3e: {  	_ =	shalt  }
0x3f: {  	_ =	shalt  }
0x40: {  	_ =	shalt  }
0x41: {  	_ =	shalt  }
0x42: {  	_ =	shalt  }
0x43: {  	_ =	shalt  }
0x44: {  	_ =	shalt  }
0x45: {  	_ =	shalt  }
0x46: {  	_ =	shalt  }
0x47: {  	_ =	shalt  }
0x48: {  	_ =	shalt  }
0x49: {  	_ =	shalt  }
0x4a: {  	_ =	shalt  }
0x4b: {  	_ =	shalt  }
0x4c: {  	_ =	shalt  }
0x4d: {  	_ =	shalt  }
0x4e: {  	_ =	shalt  }
0x4f: {  	_ =	shalt  }
0x50: {  	_ =	shalt  }
0x51: {  	_ =	shalt  }
0x52: {  	_ =	shalt  }
0x53: {  	_ =	shalt  }
0x54: {  	_ =	shalt  }
0x55: {  	_ =	shalt  }
0x56: {  	_ =	shalt  }
0x57: {  	_ =	shalt  }
0x58: {  	_ =	shalt  }
0x59: {  	_ =	shalt  }
0x5a: {  	_ =	shalt  }
0x5b: {  	_ =	shalt  }
0x5c: {  	_ =	shalt  }
0x5d: {  	_ =	shalt  }
0x5e: {  	_ =	shalt  }
0x5f: {  	_ =	shalt  }
0x60: {  	_ =	shalt  }
0x61: {  	_ =	shalt  }
0x62: {  	_ =	shalt  }
0x63: {  	_ =	shalt  }
0x64: {  	_ =	shalt  }
0x65: {  	_ =	shalt  }
0x66: {  	_ =	shalt  }
0x67: {  	_ =	shalt  }
0x68: {  	_ =	shalt  }
0x69: {  	_ =	shalt  }
0x6a: {  	_ =	shalt  }
0x6b: {  	_ =	shalt  }
0x6c: {  	_ =	shalt  }
0x6d: {  	_ =	shalt  }
0x6e: {  	_ =	shalt  }
0x6f: {  	_ =	shalt  }
0x70: {  	_ =	shalt  }
0x71: {  	_ =	shalt  }
0x72: {  	_ =	shalt  }
0x73: {  	_ =	shalt  }
0x74: {  	_ =	shalt  }
0x75: {  	_ =	shalt  }
0x76: {  	_ =	shalt  }
0x77: {  	_ =	shalt  }
0x78: {  	_ =	shalt  }
0x79: {  	_ =	shalt  }
0x7a: {  	_ =	shalt  }
0x7b: {  	_ =	shalt  }
0x7c: {  	_ =	shalt  }
0x7d: {  	_ =	shalt  }
0x7e: {  	_ =	shalt  }
0x7f: {  	_ =	shalt  }
0x80: {  	_ =	shalt  }
0x81: {  	_ =	shalt  }
0x82: {  	_ =	shalt  }
0x83: {  	_ =	shalt  }
0x84: {  	_ =	shalt  }
0x85: {  	_ =	shalt  }
0x86: {  	_ =	shalt  }
0x87: {  	_ =	shalt  }
.Lfunc_end0:
.L_simem_size_0:
called_computation.2_lowered:
.L_overlay_start_0:
0x88: {  	s2 =	sld [smem:$0x3FD9]  }
0x89: {  	s3 =	sld [smem:$0x3FFE];
	_ =	sdelay $0x1  }
0x8a: {  	s1 =	srdreg.scid  }
0x8b: {  	s0 =	sand.u32 $0x1, s1  }
0x8c: {  	s16 =	sshll.u32 s0, $0xA;
	s2 =	sadd.s32 s3, s2  }
0x8d: {  	s2 =	sadd.s32 s2, s16  }
0x8e: {  	[smem:$0x3FBE] =	sst s2  }
0x8f: {  	_ = 	snop  }
0x90: {  	(tm) =	ssettm $0x1  }
0x91: {  	s17 =	sld [smem:$0x3FFB];
	_ =	sdelay $0x3  }
0x92: {  	_ =	strace s17  }
0x93: {  	s2 =	sld [smem:$0x3FFC];
	_ =	sdelay $0x3  }
0x94: {  	_ =	strace s2  }
0x95: {  	s2 =	sld [smem:$0x3FFD];
	_ =	sdelay $0x3  }
0x96: {  	_ =	strace s2  }
0x97: {  	_ =	strace $0x8FFFFFFF  }
0x98: {  	s18 =	sld [smem:$0x3FDB];
	_ =	sdelay $0x1  }
0x99: {  	s19 =	simm.s32 $_scs_section_size  }
0x9a: {  	s4 =	simm.s32 $_size__tile_overlayer_lowered;
	s5 =	simm.s32 $_tile_overlayer_lowered  }
0x9b: {  	s22 =	simm.s32 $0x1BFF;
	s21 =	sshll.u32 s5, $0x1;
	s2 =	sadd.s32 s19, s18  }
0x9c: {  	s6 =	simm.s32 $0x0;
	s20 =	sshll.u32 s4, $0x1;
	s4 =	sadd.s32 s21, s2  }
0x9d: {  	[timem:s6], [sflag:s22] =	dma.local [hbm:s4], s20  }
0x9e: {  	_ =	swait.ge [sflag:s22], s20  }
0x9f: {  	s3 =	ssub.s32 $0x0, s20;
	[sflag:s22] =	ssyncset.done $0x0  }
0xa0: {  	[sflag:s22] =	ssyncadd.s32 s3;
	_ =	sdelay $0x1  }
0xa1: {  	s23 =	simm.s32 $0x1B8B  }
0xa2: {  	_ =	swait.ge [sflag:s23], $0x1  }
0xa3: {  	[sflag:s23] =	ssyncset.done $0x0  }
0xa4: {  	s25 =	simm.s32 $0x1B8E;
	s24 =	sld [smem:$0x3FFE];
	[sflag:s23] =	ssyncadd.s32 $0xFFFFFFFF  }
0xa5: {  	s26 =	simm.s32 $execute0_lowered;
	[smem:$0x3FD2] =	sst s25  }
0xa6: {  	s4 =	sshll.u32 s26, $0x1;
	_ =	strace $0x8000004C;
	[dreg:$0x1] =	wrdreg $0xFFFFFFFF  }
0xa7: {  	s28 =	simm.s32 $_size_execute0_lowered;
	s2 =	sadd.s32 s2, s4;
	[dreg:$0x0] =	wrdreg $0x0  }
0xa8: {  	s4 =	sshll.u32 s28, $0x1;
	[dreg:$0x2] =	wrdreg s2  }
0xa9: {  	[dreg:$0x3] =	wrdreg s4  }
0xaa: {  	[dreg:$0x4] =	wrdreg $0xC0  }
0xab: {  	_ =	task [dreg:s6], $0x5FFFF  }
0xac: {  	[dreg:$0x1] =	wrdreg $0xFFFFFFFF  }
0xad: {  	[dreg:$0x0] =	wrdreg $0x60  }
0xae: {  	[dreg:$0x2] =	wrdreg s24  }
0xaf: {  	[dreg:$0x3] =	wrdreg $0x98000  }
0xb0: {  	[dreg:$0x4] =	wrdreg $0x9  }
0xb1: {  	_ =	task.clear_ibuf [dreg:s6], $0x5FFFF;
	_ =	strace $0x9000004C  }
0xb2: {  	s29 =	simm.s32 $0x9;
	_ =	strace $0x8000004E  }
0xb3: {  	_ =	swait.ge [sflag:s29], $0x1  }
0xb4: {  	[sflag:s29] =	ssyncadd.s32 $0xFFFFFFFF  }
0xb5: {  	_ =	strace $0x9000004E  }
0xb6: {  	_ =	sfence  }
0xb7: {  	s30 =	sld [smem:$0x0];
	_ =	sdelay $0x2  }
0xb8: {  	s31 =	sshll.u32 s1, $0xD;
	s1 =	sshrl.u32 s1, $0x2  }
0xb9: {  	s3 =	sand.u32 $0x4000, s31;
	s1 =	sadd.s32 s1, s30  }
0xba: {  	s0 =	sor.u32 s3, s0;
	s1 =	sshll.u32 s1, $0x11  }
0xbb: {  	s0 =	sor.u32 s1, s0  }
0xbc: {  	s0 =	sadd.s32 $0x8F2B, s0  }
0xbd: {  	[sflag:s0] =	ssyncadd.remote.s32 $0x1  }
0xbe: {  	_ =	sfence.sel $0xFFFF  }
0xbf: {  	[dreg:$0x0] =	wrdreg $0xFFFFFFFF;
	(pc) =	sbr.abs _section_cstart, $3  }
0xc0: {  	[dreg:$0x1] =	wrdreg $0xFFFFFFFF  }
0xc1: {  	_ =	task.clear_ibuf [dreg:s6], $0x2FFFF;
	_ =	strace $0x9FFFFFFF  }
0xc2: {  	(tm) =	ssettm $0x7FFFFFFF  }
0xc3: {  	_ =	shalt  }
tec
execute0_lowered:
.L_overlay_start_1:
0x0: {  	(tag) =	ssettag $0x1  }
0x1: {  	s0 =	rddreg [dreg:$0x0]  }
0x2: {  	s1 =	srdreg.scid;
	s9 =	stileid.u32  }
0x3: {  	s2 =	rddreg [dreg:$0x1];
	s3 =	simm.s32 $0x0;
	s28 =	simm.s32 $0x6800  }
0x4: {  	s30 =	simm.s32 $0x7800;
	s29 =	simm.s32 $0x2;
	s31 =	simm.s32 $0x3  }
0x5: {  	s10 =	simm.s32 $0x8;
	s1 =	sand.u32 $0x1, s1;
	s8 =	smul.u32 $0x14000, s9  }
0x6: {  	s4 =	sshll.u32 s9, $0x1;
	[smem:$0x7FF] =	sst s3;
	s9 =	smul.u32 $0x5000, s9  }
0x7: {  	s4 =	sor.u32 s1, s4;
	s6 =	ssub.s32 $0x2, s1;
	s1 =	smul.u32 $0x50000, s1  }
0x8: {  	_ =	strace $0x8000004D;
	s5 =	smul.u32 $0x580, s4;
	s4 =	sadd.s32 $0xD400, s0  }
0x9: {  	s7 =	sshrl.u32 s6, $0x1;
	s12 =	sshrl.u32 s8, $0x2;
	s13 =	sadd.s32 s9, s2  }
0xa: {  	s19 =	sadd.s32 $0x1000, s9;
	s22 =	sadd.s32 $0x2000, s9;
	s24 =	sadd.s32 $0x3000, s9  }
0xb: {  	s25 =	sadd.s32 $0x4000, s9;
	s8 =	simm.s32 $0x6;
	s6 =	ssub.s32 s6, s7  }
0xc: {  	s7 =	sadd.s32 s12, s2;
	[dreg:$0x5] =	wrdreg s13;
	s17 =	sadd.s32 s1, s9  }
0xd: {  	s21 =	sadd.s32 s1, s19;
	s23 =	sadd.s32 s1, s22;
	s26 =	sadd.s32 s1, s24  }
0xe: {  	s1 =	sadd.s32 s1, s25;
	s9 =	simm.s32 $0x7;
	s14 =	smax.u32 s6, $0x1  }
0xf: {  	s5 =	sadd.s32 s5, s0;
	s15 =	sadd.s32 $0x1000, s7;
	[dreg:$0x6] =	wrdreg s14  }
0x10: {  	s0 =	sadd.s32 $0x22400, s0;
	s16 =	sadd.s32 $0x2000, s7;
	[dreg:$0x7] =	wrdreg s15  }
0x11: {  	s18 =	sadd.s32 $0x3000, s7;
	s20 =	sadd.s32 $0x4000, s7;
	[dreg:$0x8] =	wrdreg s16  }
0x12: {  	s1 =	sshrl.u32 s1, $0x3;
	s6 =	simm.s32 $0x5;
	[dreg:$0x9] =	wrdreg s18  }
0x13: {  	s11 =	sadd.s32 $0x17400, s5;
	s5 =	sadd.s32 $0x2400, s5;
	[dreg:$0xa] =	wrdreg s20  }
0x14: {  	s15 =	sadd.s32 s19, s2;
	s19 =	sadd.s32 s24, s2;
	[dreg:$0x3] =	wrdreg s11  }
0x15: {  	s24 =	simm.s32 $0x2C00;
	[dreg:$0x4] =	wrdreg s5;
	s5 =	sshrl.u32 s17, $0x3  }
0x16: {  	s17 =	sadd.s32 s22, s2;
	s22 =	sadd.s32 s0, s1;
	s5 =	sadd.s32 s0, s5  }
0x17: {  	s1 =	simm.s32 $0x8800;
	s11 =	simm.s32 $0x0;
	[dreg:$0xb] =	wrdreg s5  }
0x18: {  	s5 =	sshrl.u32 s21, $0x3;
	s21 =	sadd.s32 s25, s2;
	s25 =	simm.s32 $0x5800  }
0x19: {  	s16 =	sadd.s32 s0, s5;
	s5 =	sshrl.u32 s23, $0x3;
	s23 =	simm.s32 $0x9  }
0x1a: {  	s18 =	sadd.s32 s0, s5;
	s5 =	sshrl.u32 s26, $0x3;
	s26 =	simm.s32 $0x80  }
0x1b: {  	v0 =	vimm.f32 $0.0e+00;
	s20 =	sadd.s32 s0, s5;
	s0 =	simm.s32 $0x1;
	s5 =	simm.s32 $0x4  }
.LBB2_1:
0x1c: {  	s12 =	rddreg [dreg:$0x3]  }
0x1d: {  	[tilespmem:s3], [sflag:$0x9] =	stream.linear.gather [hbm4b:s12+s3], $0x2C00, $0x38;
	[tilespmem:$0xE800] =	vst v63  }
0x1e: {  	_ =	swait.ge [sflag:s23], $0x2C00  }
0x1f: {  	[sflag:s23] =	ssyncset.done $0x0  }
0x20: {  	s14 =	rddreg [dreg:$0x4];
	[sflag:s23] =	ssyncadd.s32 $0xFFFFD400  }
0x21: {  	[tilespmem:s24], [sflag:$0x9] =	stream.linear.gather [hbm4b:s14+s3], $0x2C00, $0x38;
	[tilespmem:$0xE800] =	vst v63  }
0x22: {  	_ =	swait.ge [sflag:s23], $0x2C00  }
0x23: {  	[sflag:s23] =	ssyncset.done $0x0  }
0x24: {  	s13 =	simm.s32 $0x0;
	s12 =	simm.s32 $0x80;
	[sflag:s23] =	ssyncadd.s32 $0xFFFFD400  }
.LBB2_2:
0x25: {  	p0 =	sne.s32 s12, $0x3F80;
	[tilespmem:s13+$0x5800] =	vst v0;
	s14 =	smov.u32 s12;
	s12 =	sadd.s32 $0x80, s12  }
.Ltmp0:
0x26: {  	[tilespmem:s13+$0x5810] =	vst v0;
	(pc) =	sbr.rel @p0 .LBB2_2-.Ltmp0, $2  }
0x27: {  	_ =	sdelay $0x2  }
0x28: {  	s13 =	sshra.s32 s14, $0x2  }
0x29: {  	[tilespmem:s13+$0x5800] =	vst v0  }
0x2a: {  	[tilespmem:s13+$0x5810] =	vst v0  }
0x2b: {  	[spmem:s7] =	stream.linear.scatter [tilespmem:s25], [sflag:$0x9], $0x1000, $0x38;
	[tilespmem:$0xE800] =	vst v63  }
0x2c: {  	_ =	swait.ge [sflag:s23], $0x1000  }
0x2d: {  	[sflag:s23] =	ssyncset.done $0x0  }
0x2e: {  	s12 =	rddreg [dreg:$0x7];
	[sflag:s23] =	ssyncadd.s32 $0xFFFFF000  }
0x2f: {  	[spmem:s12] =	stream.linear.scatter [tilespmem:s25], [sflag:$0x9], $0x1000, $0x38;
	[tilespmem:$0xE800] =	vst v63  }
0x30: {  	_ =	swait.ge [sflag:s23], $0x1000  }
0x31: {  	[sflag:s23] =	ssyncset.done $0x0  }
0x32: {  	s13 =	rddreg [dreg:$0x8];
	[sflag:s23] =	ssyncadd.s32 $0xFFFFF000  }
0x33: {  	[spmem:s13] =	stream.linear.scatter [tilespmem:s25], [sflag:$0x9], $0x1000, $0x38;
	[tilespmem:$0xE800] =	vst v63  }
0x34: {  	_ =	swait.ge [sflag:s23], $0x1000  }
0x35: {  	[sflag:s23] =	ssyncset.done $0x0  }
0x36: {  	s14 =	rddreg [dreg:$0x9];
	[sflag:s23] =	ssyncadd.s32 $0xFFFFF000  }
0x37: {  	[spmem:s14] =	stream.linear.scatter [tilespmem:s25], [sflag:$0x9], $0x1000, $0x38;
	[tilespmem:$0xE800] =	vst v63  }
0x38: {  	_ =	swait.ge [sflag:s23], $0x1000  }
0x39: {  	[sflag:s23] =	ssyncset.done $0x0  }
0x3a: {  	s13 =	rddreg [dreg:$0xa];
	[sflag:s23] =	ssyncadd.s32 $0xFFFFF000  }
0x3b: {  	[spmem:s13] =	stream.linear.scatter [tilespmem:s25], [sflag:$0x9], $0x1000, $0x38;
	[tilespmem:$0xE800] =	vst v63  }
0x3c: {  	_ =	swait.ge [sflag:s23], $0x1000  }
0x3d: {  	[sflag:s23] =	ssyncset.done $0x0  }
0x3e: {  	[sflag:s23] =	ssyncadd.s32 $0xFFFFF000  }
0x3f: {  	s14 =	simm.s32 $0x0;
	[bflag:$0x0] =	sbarrier.arrive $0xFFFF  }
0x40: {  	[tilespmem:s25], [sflag:$0x1] =	stream.indirect.gather [hbm4b:s4+s26], $0x20, s14, s26, $0xb8;
	[tilespmem:$0xE800] =	vst v63  }
0x41: {  	_ = 	snop  }
0x42: {  	[tilespmem:s28], [sflag:$0x2] =	stream.indirect.gather [hbm4b:s4+s26], $0x20, s26, s26, $0xb8;
	[tilespmem:$0xE800] =	vst v63  }
0x43: {  	s13 =	simm.s32 $0x100  }
0x44: {  	[tilespmem:s30], [sflag:$0x3] =	stream.indirect.gather [hbm4b:s4+s26], $0x20, s13, s26, $0xb8;
	[tilespmem:$0xE800] =	vst v63  }
0x45: {  	s14 =	simm.s32 $0x180  }
0x46: {  	[tilespmem:s1], [sflag:$0x4] =	stream.indirect.gather [hbm4b:s4+s26], $0x20, s14, s26, $0xb8;
	[tilespmem:$0xE800] =	vst v63  }
0x47: {  	_ =	swait.ge [sflag:s0], $0x1000  }
0x48: {  	[sflag:s0] =	ssyncset.done $0x0  }
0x49: {  	[sflag:s0] =	ssyncadd.s32 $0xFFFFF000  }
0x4a: {  	[spmem:s2] =	stream.indirect.scatter.add.f32 [tilespmem:s25], [sflag:$0x5], $0x20, s24, s26, $0xb8;
	[tilespmem:$0xE800] =	vst v63  }
0x4b: {  	_ =	swait.ge [sflag:s29], $0x1000  }
0x4c: {  	[sflag:s29] =	ssyncset.done $0x0  }
0x4d: {  	s13 =	simm.s32 $0x2C80;
	[sflag:s29] =	ssyncadd.s32 $0xFFFFF000  }
0x4e: {  	[spmem:s2] =	stream.indirect.scatter.add.f32 [tilespmem:s28], [sflag:$0x6], $0x20, s13, s26, $0xb8;
	[tilespmem:$0xE800] =	vst v63  }
0x4f: {  	_ =	swait.ge [sflag:s31], $0x1000  }
0x50: {  	[sflag:s31] =	ssyncset.done $0x0  }
0x51: {  	s14 =	simm.s32 $0x2D00;
	[sflag:s31] =	ssyncadd.s32 $0xFFFFF000  }
0x52: {  	[spmem:s2] =	stream.indirect.scatter.add.f32 [tilespmem:s30], [sflag:$0x7], $0x20, s14, s26, $0xb8;
	[tilespmem:$0xE800] =	vst v63  }
0x53: {  	_ =	swait.ge [sflag:s5], $0x1000  }
0x54: {  	[sflag:s5] =	ssyncset.done $0x0  }
0x55: {  	s13 =	simm.s32 $0x2D80;
	[sflag:s5] =	ssyncadd.s32 $0xFFFFF000  }
0x56: {  	[spmem:s2] =	stream.indirect.scatter.add.f32 [tilespmem:s1], [sflag:$0x8], $0x20, s13, s26, $0xb8;
	[tilespmem:$0xE800] =	vst v63  }
0x57: {  	_ =	swait.ge [sflag:s6], $0x1000  }
0x58: {  	[sflag:s6] =	ssyncset.done $0x0  }
0x59: {  	s14 =	simm.s32 $0x200;
	[sflag:s6] =	ssyncadd.s32 $0xFFFFF000  }
0x5a: {  	[tilespmem:s25], [sflag:$0x1] =	stream.indirect.gather [hbm4b:s4+s26], $0x20, s14, s26, $0xb8;
	[tilespmem:$0xE800] =	vst v63  }
0x5b: {  	_ =	swait.ge [sflag:s8], $0x1000  }
0x5c: {  	[sflag:s8] =	ssyncset.done $0x0  }
0x5d: {  	s13 =	simm.s32 $0x280;
	[sflag:s8] =	ssyncadd.s32 $0xFFFFF000  }
0x5e: {  	[tilespmem:s28], [sflag:$0x2] =	stream.indirect.gather [hbm4b:s4+s26], $0x20, s13, s26, $0xb8;
	[tilespmem:$0xE800] =	vst v63  }
0x5f: {  	_ =	swait.ge [sflag:s9], $0x1000  }
0x60: {  	[sflag:s9] =	ssyncset.done $0x0  }
0x61: {  	s14 =	simm.s32 $0x300;
	[sflag:s9] =	ssyncadd.s32 $0xFFFFF000  }
0x62: {  	[tilespmem:s30], [sflag:$0x3] =	stream.indirect.gather [hbm4b:s4+s26], $0x20, s14, s26, $0xb8;
	[tilespmem:$0xE800] =	vst v63  }
0x63: {  	_ =	swait.ge [sflag:s10], $0x1000  }
0x64: {  	[sflag:s10] =	ssyncset.done $0x0  }
0x65: {  	s13 =	simm.s32 $0x380;
	[sflag:s10] =	ssyncadd.s32 $0xFFFFF000  }
0x66: {  	[tilespmem:s1], [sflag:$0x4] =	stream.indirect.gather [hbm4b:s4+s26], $0x20, s13, s26, $0xb8;
	[tilespmem:$0xE800] =	vst v63  }
0x67: {  	_ =	swait.ge [sflag:s0], $0x1000  }
0x68: {  	[sflag:s0] =	ssyncset.done $0x0  }
0x69: {  	s14 =	simm.s32 $0x2E00;
	[sflag:s0] =	ssyncadd.s32 $0xFFFFF000  }
0x6a: {  	[spmem:s2] =	stream.indirect.scatter.add.f32 [tilespmem:s25], [sflag:$0x5], $0x20, s14, s26, $0xb8;
	[tilespmem:$0xE800] =	vst v63  }
0x6b: {  	_ =	swait.ge [sflag:s29], $0x1000  }
0x6c: {  	[sflag:s29] =	ssyncset.done $0x0  }
0x6d: {  	s13 =	simm.s32 $0x2E80;
	[sflag:s29] =	ssyncadd.s32 $0xFFFFF000  }
0x6e: {  	[spmem:s2] =	stream.indirect.scatter.add.f32 [tilespmem:s28], [sflag:$0x6], $0x20, s13, s26, $0xb8;
	[tilespmem:$0xE800] =	vst v63  }
0x6f: {  	_ =	swait.ge [sflag:s31], $0x1000  }
0x70: {  	[sflag:s31] =	ssyncset.done $0x0  }
0x71: {  	s14 =	simm.s32 $0x2F00;
	[sflag:s31] =	ssyncadd.s32 $0xFFFFF000  }
0x72: {  	[spmem:s2] =	stream.indirect.scatter.add.f32 [tilespmem:s30], [sflag:$0x7], $0x20, s14, s26, $0xb8;
	[tilespmem:$0xE800] =	vst v63  }
0x73: {  	_ =	swait.ge [sflag:s5], $0x1000  }
0x74: {  	[sflag:s5] =	ssyncset.done $0x0  }
0x75: {  	s12 =	simm.s32 $0x800;
	s13 =	simm.s32 $0x2F80;
	[sflag:s5] =	ssyncadd.s32 $0xFFFFF000  }
.LBB2_4:
0x76: {  	[spmem:s2] =	stream.indirect.scatter.add.f32 [tilespmem:s1], [sflag:$0x8], $0x20, s13, s26, $0xb8;
	[tilespmem:$0xE800] =	vst v63  }
0x77: {  	s13 =	smov.u32 s12  }
0x78: {  	p0 =	sne.s32 s12, $0xA000;
	s12 =	sadd.s32 $0x800, s12;
	_ =	swait.ge [sflag:s6], $0x1000  }
0x79: {  	s13 =	sshra.s32 s13, $0x2;
	[sflag:s6] =	ssyncset.done $0x0  }
0x7a: {  	s14 =	sadd.s32 $0x200, s13;
	[sflag:s6] =	ssyncadd.s32 $0xFFFFF000  }
0x7b: {  	[tilespmem:s25], [sflag:$0x1] =	stream.indirect.gather [hbm4b:s4+s26], $0x20, s14, s26, $0xb8;
	[tilespmem:$0xE800] =	vst v63  }
0x7c: {  	_ =	swait.ge [sflag:s8], $0x1000  }
0x7d: {  	[sflag:s8] =	ssyncset.done $0x0  }
0x7e: {  	s14 =	sadd.s32 $0x280, s13;
	[sflag:s8] =	ssyncadd.s32 $0xFFFFF000  }
0x7f: {  	[tilespmem:s28], [sflag:$0x2] =	stream.indirect.gather [hbm4b:s4+s26], $0x20, s14, s26, $0xb8;
	[tilespmem:$0xE800] =	vst v63  }
0x80: {  	_ =	swait.ge [sflag:s9], $0x1000  }
0x81: {  	[sflag:s9] =	ssyncset.done $0x0  }
0x82: {  	s14 =	sadd.s32 $0x300, s13;
	[sflag:s9] =	ssyncadd.s32 $0xFFFFF000  }
0x83: {  	[tilespmem:s30], [sflag:$0x3] =	stream.indirect.gather [hbm4b:s4+s26], $0x20, s14, s26, $0xb8;
	[tilespmem:$0xE800] =	vst v63  }
0x84: {  	_ =	swait.ge [sflag:s10], $0x1000  }
0x85: {  	[sflag:s10] =	ssyncset.done $0x0  }
0x86: {  	s14 =	sadd.s32 $0x380, s13;
	[sflag:s10] =	ssyncadd.s32 $0xFFFFF000  }
0x87: {  	[tilespmem:s1], [sflag:$0x4] =	stream.indirect.gather [hbm4b:s4+s26], $0x20, s14, s26, $0xb8;
	[tilespmem:$0xE800] =	vst v63  }
0x88: {  	_ =	swait.ge [sflag:s0], $0x1000  }
0x89: {  	[sflag:s0] =	ssyncset.done $0x0  }
0x8a: {  	s14 =	sadd.s32 $0x2E00, s13;
	[sflag:s0] =	ssyncadd.s32 $0xFFFFF000  }
0x8b: {  	[spmem:s2] =	stream.indirect.scatter.add.f32 [tilespmem:s25], [sflag:$0x5], $0x20, s14, s26, $0xb8;
	[tilespmem:$0xE800] =	vst v63  }
0x8c: {  	_ =	swait.ge [sflag:s29], $0x1000  }
0x8d: {  	[sflag:s29] =	ssyncset.done $0x0  }
0x8e: {  	s14 =	sadd.s32 $0x2E80, s13;
	[sflag:s29] =	ssyncadd.s32 $0xFFFFF000  }
0x8f: {  	[spmem:s2] =	stream.indirect.scatter.add.f32 [tilespmem:s28], [sflag:$0x6], $0x20, s14, s26, $0xb8;
	[tilespmem:$0xE800] =	vst v63  }
0x90: {  	_ =	swait.ge [sflag:s31], $0x1000  }
0x91: {  	[sflag:s31] =	ssyncset.done $0x0  }
.Ltmp1:
0x92: {  	s14 =	sadd.s32 $0x2F00, s13;
	[sflag:s31] =	ssyncadd.s32 $0xFFFFF000;
	(pc) =	sbr.rel @p0 .LBB2_4-.Ltmp1, $4  }
0x93: {  	[spmem:s2] =	stream.indirect.scatter.add.f32 [tilespmem:s30], [sflag:$0x7], $0x20, s14, s26, $0xb8;
	[tilespmem:$0xE800] =	vst v63  }
0x94: {  	_ =	swait.ge [sflag:s5], $0x1000  }
0x95: {  	[sflag:s5] =	ssyncset.done $0x0  }
0x96: {  	s13 =	sadd.s32 $0x2F80, s13;
	[sflag:s5] =	ssyncadd.s32 $0xFFFFF000  }
0x97: {  	[spmem:s2] =	stream.indirect.scatter.add.f32 [tilespmem:s1], [sflag:$0x8], $0x20, s13, s26, $0xb8;
	[tilespmem:$0xE800] =	vst v63  }
0x98: {  	_ =	swait.ge [sflag:s6], $0x1000  }
0x99: {  	[sflag:s6] =	ssyncset.done $0x0  }
0x9a: {  	[sflag:s6] =	ssyncadd.s32 $0xFFFFF000  }
0x9b: {  	_ =	swait.ge [sflag:s8], $0x1000  }
0x9c: {  	[sflag:s8] =	ssyncset.done $0x0  }
0x9d: {  	[sflag:s8] =	ssyncadd.s32 $0xFFFFF000  }
0x9e: {  	_ =	swait.ge [sflag:s9], $0x1000  }
0x9f: {  	[sflag:s9] =	ssyncset.done $0x0  }
0xa0: {  	[sflag:s9] =	ssyncadd.s32 $0xFFFFF000  }
0xa1: {  	_ =	swait.ge [sflag:s10], $0x1000  }
0xa2: {  	[sflag:s10] =	ssyncset.done $0x0  }
0xa3: {  	[sflag:s10] =	ssyncadd.s32 $0xFFFFF000  }
0xa4: {  	[bflag:$0x0] =	sbarrier.arrive $0xFFFF  }
0xa5: {  	s12 =	rddreg [dreg:$0x5]  }
0xa6: {  	[tilespmem:s25], [sflag:$0x9] =	stream.linear.gather [spmem:s12], $0x1000, $0x38;
	[tilespmem:$0xE800] =	vst v63  }
0xa7: {  	_ =	swait.ge [sflag:s23], $0x1000  }
0xa8: {  	[sflag:s23] =	ssyncset.done $0x0  }
0xa9: {  	s13 =	rddreg [dreg:$0xb];
	[sflag:s23] =	ssyncadd.s32 $0xFFFFF000  }
0xaa: {  	[hbm4b:s13+s3] =	stream.linear.scatter [tilespmem:s25], [sflag:$0x9], $0x1000, $0x38;
	[tilespmem:$0xE800] =	vst v63  }
0xab: {  	_ =	swait.ge [sflag:s23], $0x1000  }
0xac: {  	[sflag:s23] =	ssyncset.done $0x0  }
0xad: {  	[sflag:s23] =	ssyncadd.s32 $0xFFFFF000  }
0xae: {  	[tilespmem:s25], [sflag:$0x9] =	stream.linear.gather [spmem:s15], $0x1000, $0x38;
	[tilespmem:$0xE800] =	vst v63  }
0xaf: {  	_ =	swait.ge [sflag:s23], $0x1000  }
0xb0: {  	[sflag:s23] =	ssyncset.done $0x0  }
0xb1: {  	[sflag:s23] =	ssyncadd.s32 $0xFFFFF000  }
0xb2: {  	[hbm4b:s16+s3] =	stream.linear.scatter [tilespmem:s25], [sflag:$0x9], $0x1000, $0x38;
	[tilespmem:$0xE800] =	vst v63  }
0xb3: {  	_ =	swait.ge [sflag:s23], $0x1000  }
0xb4: {  	[sflag:s23] =	ssyncset.done $0x0  }
0xb5: {  	[sflag:s23] =	ssyncadd.s32 $0xFFFFF000  }
0xb6: {  	[tilespmem:s25], [sflag:$0x9] =	stream.linear.gather [spmem:s17], $0x1000, $0x38;
	[tilespmem:$0xE800] =	vst v63  }
0xb7: {  	_ =	swait.ge [sflag:s23], $0x1000  }
0xb8: {  	[sflag:s23] =	ssyncset.done $0x0  }
0xb9: {  	[sflag:s23] =	ssyncadd.s32 $0xFFFFF000  }
0xba: {  	[hbm4b:s18+s3] =	stream.linear.scatter [tilespmem:s25], [sflag:$0x9], $0x1000, $0x38;
	[tilespmem:$0xE800] =	vst v63  }
0xbb: {  	_ =	swait.ge [sflag:s23], $0x1000  }
0xbc: {  	[sflag:s23] =	ssyncset.done $0x0  }
0xbd: {  	[sflag:s23] =	ssyncadd.s32 $0xFFFFF000  }
0xbe: {  	[tilespmem:s25], [sflag:$0x9] =	stream.linear.gather [spmem:s19], $0x1000, $0x38;
	[tilespmem:$0xE800] =	vst v63  }
0xbf: {  	_ =	swait.ge [sflag:s23], $0x1000  }
0xc0: {  	[sflag:s23] =	ssyncset.done $0x0  }
0xc1: {  	[sflag:s23] =	ssyncadd.s32 $0xFFFFF000  }
0xc2: {  	[hbm4b:s20+s3] =	stream.linear.scatter [tilespmem:s25], [sflag:$0x9], $0x1000, $0x38;
	[tilespmem:$0xE800] =	vst v63  }
0xc3: {  	_ =	swait.ge [sflag:s23], $0x1000  }
0xc4: {  	[sflag:s23] =	ssyncset.done $0x0  }
0xc5: {  	[sflag:s23] =	ssyncadd.s32 $0xFFFFF000  }
0xc6: {  	[tilespmem:s25], [sflag:$0x9] =	stream.linear.gather [spmem:s21], $0x1000, $0x38;
	[tilespmem:$0xE800] =	vst v63  }
0xc7: {  	_ =	swait.ge [sflag:s23], $0x1000  }
0xc8: {  	[sflag:s23] =	ssyncset.done $0x0  }
0xc9: {  	[sflag:s23] =	ssyncadd.s32 $0xFFFFF000  }
0xca: {  	[hbm4b:s22+s3] =	stream.linear.scatter [tilespmem:s25], [sflag:$0x9], $0x1000, $0x38;
	[tilespmem:$0xE800] =	vst v63  }
0xcb: {  	_ =	swait.ge [sflag:s23], $0x1000  }
0xcc: {  	s11 =	sadd.s32 $0x1, s11;
	s14 =	rddreg [dreg:$0x6]  }
0xcd: {  	p0 =	sne.s32 s11, s14  }
.Ltmp2:
0xce: {  	_ = 	snop;
	(pc) =	sbr.rel @p0 .LBB2_1-.Ltmp2, $3  }
0xcf: {  	_ =	sdelay $0x1  }
0xd0: {  	[sflag:s23] =	ssyncset.done $0x0  }
0xd1: {  	[sflag:s23] =	ssyncadd.s32 $0xFFFFF000  }
0xd2: {  	_ =	sfence.sel $0x180000  }
0xd3: {  	[bflag:$0x0] =	sbarrier.arrive $0xFFFF  }
0xd4: {  	_ =	strace $0x9000004D  }
0xd5: {  	s0 =	stileid.u32;
	[bflag:$0x2] =	sbarrier.arrive $0xFFFF  }
0xd6: {  	p0 =	sne.s32 s0, $0x0;
	s0 =	rddreg [dreg:$0x2]  }
0xd7: {  	s0 =	sadd.s32 @!p0 $0x100000, s0  }
0xd8: {  	[sflag:s0] =	ssyncadd.tile.s32 @!p0 $0x1;
	_ =	shalt  }
.Lfunc_end2:
_tile_overlayer_lowered:
.L_overlay_start_2:
0xd9: {  	(tag) =	ssettag $0x2  }
0xda: {  	s0 =	rddreg [dreg:$0x0];
	s2 =	stileid.u32  }
0xdb: {  	s1 =	rddreg [dreg:$0x1];
	p0 =	sne.s32 s2, $0x0  }
0xdc: {  	s3 =	rddreg [dreg:$0x2];
	[bflag:$0x3] =	sbarrier.arrive $0xFFFF;
	s2 =	simm.s32 @!p0 $0x1C09  }
0xdd: {  	[timem:s3], [sflag:s2] =	dma.local @!p0 [hbm:s0], s1  }
0xde: {  	s0 =	simm.s32 @!p0 $0x9  }
0xdf: {  	_ =	swait.ge @!p0 [sflag:s0], s1  }
0xe0: {  	s1 =	ssub.s32 @!p0 $0x0, s1;
	[sflag:s0] =	ssyncset.done @!p0 $0x0  }
0xe1: {  	[sflag:s0] =	ssyncadd.s32 @!p0 s1  }
0xe2: {  	[bflag:$0x3] =	sbarrier.arrive $0xFFFF  }
0xe3: {  	_ =	shalt  }

// kernel: kernel.8.cloned.1.call-start
scs
__scs_entry_jumppad:
0x0: {  	(pc) =	sbr.rel $0x88, $3  }
0x1: {  	(tag) =	ssettag $0x0;
	lr =	simm.s32 $0x1  }
0x2: {  	[smem:$0x3F97] =	sst lr;
	_ =	strace $0xD0000000  }
0x3: {  	_ = 	snop  }
0x4: {  	_ = 	snop  }
0x5: {  	_ = 	snop  }
0x6: {  	_ = 	snop  }
0x7: {  	_ = 	snop  }
__scs_overlays_trampoline_lowered:
0x8: {  	[smem:$0x3FA6] =	sst s0  }
0x9: {  	[smem:$0x3FA7] =	sst s1  }
0xa: {  	[smem:$0x3FA8] =	sst s2  }
0xb: {  	[smem:$0x3FA9] =	sst s3  }
0xc: {  	[smem:$0x3FAA] =	sst s4  }
0xd: {  	[smem:$0x3FAB] =	sst s5  }
0xe: {  	[smem:$0x3FAC] =	sst s6  }
0xf: {  	[smem:$0x3FAD] =	sst s7  }
0x10: {  	[smem:$0x3FAE] =	sst s8  }
0x11: {  	[smem:$0x3FAF] =	sst s9;
	s0 =	simm.s32 @!p0 $0x0  }
0x12: {  	s1 =	sld [smem:$0x3F95];
	s0 =	simm.s32 @p0 $0x1  }
0x13: {  	[smem:$0x3FB0] =	sst s0;
	s0 =	simm.s32 @!p1 $0x0  }
0x14: {  	s2 =	sld [smem:$0x3F94];
	s0 =	simm.s32 @p1 $0x1  }
0x15: {  	[smem:$0x3FB1] =	sst s0;
	s0 =	simm.s32 @!p2 $0x0  }
0x16: {  	s3 =	sld [smem:$0x3FDB];
	s0 =	simm.s32 @p2 $0x1  }
0x17: {  	s4 =	simm.s32 $0x1BF5;
	[smem:$0x3FB3] =	sst s0  }
0x18: {  	s0 =	sld [smem:$0x3F96];
	_ =	swait.ge [sflag:s4], $0x0  }
0x19: {  	s7 =	sld [smem:$0x3F97]  }
0x1a: {  	s8 =	sadd.s32 $0xFFFFE003, lr  }
0x1b: {  	s9 =	sadd.s32 $0xFFFFFEF7, lr;
	s5 =	simm.s32 $0xFFFFFFFF;
	p2 =	slt.u32 s8, $0xFFFFF086  }
0x1c: {  	p1 =	slt.u32 s9, $0xF7A;
	s5 =	simm.s32 @!p2 $0x0  }
0x1d: {  	s5 =	simm.s32 @p1 $0x1;
	p0 =	seq.s32 s7, s2  }
0x1e: {  	s7 =	smul.u32 @!p0 $0xF7A, s2;
	p2 =	seq.s32 @!p0 s5, $0x0  }
0x1f: {  	s9 =	smul.u32 $0xF7A, s1;
	s8 =	simm.s32 @!p0 $0x1BF5;
	p2 =	por !p2, p0  }
0x20: {  	[sflag:s8] =	ssyncset.s32 @!p0 $0xFFFFF086;
	s6 =	sadd.s32 @!p0 s3, s7;
	s7 =	simm.s32 @!p0 $0x108  }
0x21: {  	s3 =	sadd.s32 s3, s9;
	s6 =	sadd.s32 @!p0 $0x88, s6;
	s7 =	simm.s32 @p2 $0x1082  }
0x22: {  	[simem:s7], [sflag:s8] =	dma.local @!p0 [hbm:s6], $0xF7A  }
0x23: {  	s9 =	sor.u32 $0xD0000000, s2;
	s6 =	simm.s32 $0x108;
	_ =	swait.ge @!p0 [sflag:s8], $0x0  }
0x24: {  	s3 =	sadd.s32 $0x88, s3;
	s6 =	simm.s32 @!p1 $0x1082;
	[sflag:s4] =	ssyncset.s32 $0xFFFFF086  }
0x25: {  	[simem:s6], [sflag:s4] =	dma.local [hbm:s3], $0xF7A  }
0x26: {  	[smem:$0x3F97] =	sst s1;
	(tag) =	ssettag s2;
	_ =	strace s9  }
0x27: {  	s1 =	sld [smem:$0x3FA7]  }
0x28: {  	s2 =	sld [smem:$0x3FA8]  }
0x29: {  	s4 =	sld [smem:$0x3FAA]  }
0x2a: {  	p0 =	seq.s32 s5, $0x0;
	s5 =	sld [smem:$0x3FAB]  }
0x2b: {  	s6 =	sld [smem:$0x3FAC]  }
0x2c: {  	s7 =	sld [smem:$0x3FAD]  }
0x2d: {  	s3 =	simm.s32 $0x108;
	s8 =	sld [smem:$0x3FAE]  }
0x2e: {  	s3 =	simm.s32 @!p0 $0x1082;
	s9 =	sld [smem:$0x3FAF]  }
0x2f: {  	lr =	sadd.s32 s0, s3;
	s0 =	sld [smem:$0x3FA6]  }
0x30: {  	s3 =	sld [smem:$0x3FA9]  }
0x31: {  	[smem:$0x3FB2] =	sst s10  }
0x32: {  	s10 =	sld [smem:$0x3FB0];
	_ =	sdelay $0x3  }
0x33: {  	p0 =	seq.s32 s10, $0x1;
	s10 =	sld [smem:$0x3FB2];
	_ =	sdelay $0x3  }
0x34: {  	[smem:$0x3FB2] =	sst s10  }
0x35: {  	s10 =	sld [smem:$0x3FB1];
	_ =	sdelay $0x3  }
0x36: {  	p1 =	seq.s32 s10, $0x1;
	s10 =	sld [smem:$0x3FB2];
	_ =	sdelay $0x3  }
0x37: {  	[smem:$0x3FB2] =	sst s10  }
0x38: {  	s10 =	sld [smem:$0x3FB3]  }
0x39: {  	_ = 	snop;
	(pc) =	sbr.ind lr, $3  }
0x3a: {  	_ = 	snop  }
0x3b: {  	_ = 	snop  }
0x3c: {  	p2 =	seq.s32 s10, $0x1;
	s10 =	sld [smem:$0x3FB2]  }
0x3d: {  	_ =	shalt  }
0x3e: {  	_ =	shalt  }
0x3f: {  	_ =	shalt  }
0x40: {  	_ =	shalt  }
0x41: {  	_ =	shalt  }
0x42: {  	_ =	shalt  }
0x43: {  	_ =	shalt  }
0x44: {  	_ =	shalt  }
0x45: {  	_ =	shalt  }
0x46: {  	_ =	shalt  }
0x47: {  	_ =	shalt  }
0x48: {  	_ =	shalt  }
0x49: {  	_ =	shalt  }
0x4a: {  	_ =	shalt  }
0x4b: {  	_ =	shalt  }
0x4c: {  	_ =	shalt  }
0x4d: {  	_ =	shalt  }
0x4e: {  	_ =	shalt  }
0x4f: {  	_ =	shalt  }
0x50: {  	_ =	shalt  }
0x51: {  	_ =	shalt  }
0x52: {  	_ =	shalt  }
0x53: {  	_ =	shalt  }
0x54: {  	_ =	shalt  }
0x55: {  	_ =	shalt  }
0x56: {  	_ =	shalt  }
0x57: {  	_ =	shalt  }
0x58: {  	_ =	shalt  }
0x59: {  	_ =	shalt  }
0x5a: {  	_ =	shalt  }
0x5b: {  	_ =	shalt  }
0x5c: {  	_ =	shalt  }
0x5d: {  	_ =	shalt  }
0x5e: {  	_ =	shalt  }
0x5f: {  	_ =	shalt  }
0x60: {  	_ =	shalt  }
0x61: {  	_ =	shalt  }
0x62: {  	_ =	shalt  }
0x63: {  	_ =	shalt  }
0x64: {  	_ =	shalt  }
0x65: {  	_ =	shalt  }
0x66: {  	_ =	shalt  }
0x67: {  	_ =	shalt  }
0x68: {  	_ =	shalt  }
0x69: {  	_ =	shalt  }
0x6a: {  	_ =	shalt  }
0x6b: {  	_ =	shalt  }
0x6c: {  	_ =	shalt  }
0x6d: {  	_ =	shalt  }
0x6e: {  	_ =	shalt  }
0x6f: {  	_ =	shalt  }
0x70: {  	_ =	shalt  }
0x71: {  	_ =	shalt  }
0x72: {  	_ =	shalt  }
0x73: {  	_ =	shalt  }
0x74: {  	_ =	shalt  }
0x75: {  	_ =	shalt  }
0x76: {  	_ =	shalt  }
0x77: {  	_ =	shalt  }
0x78: {  	_ =	shalt  }
0x79: {  	_ =	shalt  }
0x7a: {  	_ =	shalt  }
0x7b: {  	_ =	shalt  }
0x7c: {  	_ =	shalt  }
0x7d: {  	_ =	shalt  }
0x7e: {  	_ =	shalt  }
0x7f: {  	_ =	shalt  }
0x80: {  	_ =	shalt  }
0x81: {  	_ =	shalt  }
0x82: {  	_ =	shalt  }
0x83: {  	_ =	shalt  }
0x84: {  	_ =	shalt  }
0x85: {  	_ =	shalt  }
0x86: {  	_ =	shalt  }
0x87: {  	_ =	shalt  }
.Lfunc_end0:
.L_simem_size_0:
called_computation_lowered:
.L_overlay_start_0:
0x88: {  	s2 =	sld [smem:$0x3FD9]  }
0x89: {  	s3 =	sld [smem:$0x3FFE];
	_ =	sdelay $0x1  }
0x8a: {  	s1 =	srdreg.scid  }
0x8b: {  	s0 =	sand.u32 $0x1, s1  }
0x8c: {  	s16 =	sshll.u32 s0, $0xA;
	s2 =	sadd.s32 s3, s2  }
0x8d: {  	s2 =	sadd.s32 s2, s16  }
0x8e: {  	[smem:$0x3FBE] =	sst s2  }
0x8f: {  	_ = 	snop  }
0x90: {  	(tm) =	ssettm $0x1  }
0x91: {  	s17 =	sld [smem:$0x3FFB];
	_ =	sdelay $0x3  }
0x92: {  	_ =	strace s17  }
0x93: {  	s2 =	sld [smem:$0x3FFC];
	_ =	sdelay $0x3  }
0x94: {  	_ =	strace s2  }
0x95: {  	s2 =	sld [smem:$0x3FFD];
	_ =	sdelay $0x3  }
0x96: {  	_ =	strace s2  }
0x97: {  	_ =	strace $0x8FFFFFFF  }
0x98: {  	s18 =	sld [smem:$0x3FDB];
	_ =	sdelay $0x1  }
0x99: {  	s19 =	simm.s32 $_scs_section_size  }
0x9a: {  	s4 =	simm.s32 $_size__tile_overlayer_lowered;
	s5 =	simm.s32 $_tile_overlayer_lowered  }
0x9b: {  	s22 =	simm.s32 $0x1BFF;
	s21 =	sshll.u32 s5, $0x1;
	s2 =	sadd.s32 s19, s18  }
0x9c: {  	s6 =	simm.s32 $0x0;
	s20 =	sshll.u32 s4, $0x1;
	s4 =	sadd.s32 s21, s2  }
0x9d: {  	[timem:s6], [sflag:s22] =	dma.local [hbm:s4], s20  }
0x9e: {  	_ =	swait.ge [sflag:s22], s20  }
0x9f: {  	s3 =	ssub.s32 $0x0, s20;
	[sflag:s22] =	ssyncset.done $0x0  }
0xa0: {  	[sflag:s22] =	ssyncadd.s32 s3;
	_ =	sdelay $0x1  }
0xa1: {  	s23 =	simm.s32 $0x1B8B  }
0xa2: {  	_ =	swait.ge [sflag:s23], $0x1  }
0xa3: {  	[sflag:s23] =	ssyncset.done $0x0  }
0xa4: {  	s25 =	simm.s32 $0x1B8E;
	s24 =	sld [smem:$0x3FFE];
	[sflag:s23] =	ssyncadd.s32 $0xFFFFFFFF  }
0xa5: {  	s26 =	simm.s32 $execute0_lowered;
	[smem:$0x3FD2] =	sst s25  }
0xa6: {  	s4 =	sshll.u32 s26, $0x1;
	_ =	strace $0x80000046;
	[dreg:$0x1] =	wrdreg $0xFFFFFFFF  }
0xa7: {  	s28 =	simm.s32 $_size_execute0_lowered;
	s2 =	sadd.s32 s2, s4;
	[dreg:$0x0] =	wrdreg $0x0  }
0xa8: {  	s4 =	sshll.u32 s28, $0x1;
	[dreg:$0x2] =	wrdreg s2  }
0xa9: {  	[dreg:$0x3] =	wrdreg s4  }
0xaa: {  	[dreg:$0x4] =	wrdreg $0xC0  }
0xab: {  	_ =	task [dreg:s6], $0x5FFFF  }
0xac: {  	[dreg:$0x1] =	wrdreg $0xFFFFFFFF  }
0xad: {  	[dreg:$0x0] =	wrdreg $0x60  }
0xae: {  	[dreg:$0x2] =	wrdreg s24  }
0xaf: {  	[dreg:$0x3] =	wrdreg $0x9  }
0xb0: {  	_ =	task.clear_ibuf [dreg:s6], $0x4FFFF;
	_ =	strace $0x90000046  }
0xb1: {  	s29 =	simm.s32 $0x9;
	_ =	strace $0x80000048  }
0xb2: {  	_ =	swait.ge [sflag:s29], $0x1  }
0xb3: {  	[sflag:s29] =	ssyncadd.s32 $0xFFFFFFFF  }
0xb4: {  	_ =	strace $0x90000048  }
0xb5: {  	_ =	sfence  }
0xb6: {  	s30 =	sld [smem:$0x0];
	_ =	sdelay $0x2  }
0xb7: {  	s31 =	sshll.u32 s1, $0xD;
	s1 =	sshrl.u32 s1, $0x2  }
0xb8: {  	s3 =	sand.u32 $0x4000, s31;
	s1 =	sadd.s32 s1, s30  }
0xb9: {  	s0 =	sor.u32 s3, s0;
	s1 =	sshll.u32 s1, $0x11  }
0xba: {  	s0 =	sor.u32 s1, s0  }
0xbb: {  	s0 =	sadd.s32 $0x8F2B, s0  }
0xbc: {  	[sflag:s0] =	ssyncadd.remote.s32 $0x1  }
0xbd: {  	_ =	sfence.sel $0xFFFF  }
0xbe: {  	[dreg:$0x0] =	wrdreg $0xFFFFFFFF;
	(pc) =	sbr.abs _section_cstart, $3  }
0xbf: {  	[dreg:$0x1] =	wrdreg $0xFFFFFFFF  }
0xc0: {  	_ =	task.clear_ibuf [dreg:s6], $0x2FFFF;
	_ =	strace $0x9FFFFFFF  }
0xc1: {  	(tm) =	ssettm $0x7FFFFFFF  }
tec
execute0_lowered:
.L_overlay_start_1:
0x0: {  	(tag) =	ssettag $0x1  }
0x1: {  	s1 =	srdreg.scid;
	s0 =	stileid.u32  }
0x2: {  	s3 =	rddreg [dreg:$0x0];
	s8 =	simm.s32 $0x80;
	s9 =	simm.s32 $0x400  }
0x3: {  	s4 =	sand.u32 $0x1, s1;
	s2 =	sshll.u32 s0, $0x1;
	s1 =	rddreg [dreg:$0x1]  }
0x4: {  	s6 =	sshrl.u32 s0, $0x2;
	s5 =	sor.u32 s4, s2;
	s2 =	simm.s32 $0x0  }
0x5: {  	s6 =	smul.u32 $0x14000, s6;
	s4 =	ssub.s32 $0x2, s4;
	s7 =	sshll.u32 s5, $0x7  }
0x6: {  	[smem:$0x7FF] =	sst s2;
	s5 =	smul.u32 $0x580, s5;
	s7 =	sand.u32 $0x380, s7  }
0x7: {  	s31 =	sshrl.u32 s4, $0x1;
	_ =	strace $0x80000047;
	s6 =	sor.u32 s6, s7  }
0x8: {  	s5 =	sadd.s32 s5, s3;
	s7 =	ssub.s32 s4, s31;
	s6 =	sshrl.u32 s6, $0x3  }
0x9: {  	s6 =	sadd.s32 s6, s3;
	s3 =	sadd.s32 $0x2400, s5;
	s5 =	smax.u32 s7, $0x1  }
0xa: {  	v0 =	vimm.f32 $0.0e+00;
	v1 =	vimm.f32 $1.000000000e+00;
	s7 =	simm.s32 $0x2C00;
	s4 =	sadd.s32 $0xD400, s6;
	s6 =	simm.s32 $0x1  }
.LBB2_1:
0xb: {  	s10 =	simm.s32 $0x40;
	s11 =	simm.s32 $0x0  }
.LBB2_2:
0xc: {  	p0 =	sne.s32 s10, $0x9FC0;
	[tilespmem:s11+$0x2C00] =	vst v0;
	s11 =	smov.u32 s10;
	s10 =	sadd.s32 $0x40, s10  }
.Ltmp0:
0xd: {  	(pc) =	sbr.rel @p0 .LBB2_2-.Ltmp0, $2  }
0xe: {  	_ =	sdelay $0x2  }
0xf: {  	s11 =	sshra.s32 s11, $0x2  }
0x10: {  	[tilespmem:s11+$0x2C00] =	vst v0;
	s10 =	simm.s32 $0x0  }
0x11: {  	[tilespmem:s10], [sflag:$0x1] =	stream.linear.gather [hbm4b:s3+s10], $0x2C00, $0x38;
	[tilespmem:$0x5400] =	vst v63  }
0x12: {  	_ =	swait.ge [sflag:s6], $0x2C00  }
0x13: {  	[sflag:s6] =	ssyncset.done $0x0  }
0x14: {  	s11 =	simm.s32 $0x0;
	s10 =	simm.s32 $0x40;
	[sflag:s6] =	ssyncadd.s32 $0xFFFFD400  }
.LBB2_4:
0x15: {  	p0 =	sne.s32 s10, $0xAFC0;
	v2 =	vld [tilespmem:s11+$0x0];
	_ =	sdelay $0x3  }
.Ltmp1:
0x16: {  	(pc) =	sbr.rel @p0 .LBB2_4-.Ltmp1, $2  }
0x17: {  	_ =	sdelay $0x2  }
0x18: {  	s11 =	sshra.s32 s10, $0x2;
	s10 =	sadd.s32 $0x40, s10;
	[tilespmem:v2+s7+$0x0] =	vst.idx.add.f32.msk $0xffff, v1  }
0x19: {  	v2 =	vld [tilespmem:s11+$0x0];
	_ =	sdelay $0x5  }
0x1a: {  	s2 =	sadd.s32 $0x1, s2  }
0x1b: {  	p0 =	sne.s32 s2, s5  }
.Ltmp2:
0x1c: {  	[tilespmem:v2+s7+$0x0] =	vst.idx.add.f32.msk $0xffff, v1;
	(pc) =	sbr.rel @p0 .LBB2_1-.Ltmp2, $4  }
0x1d: {  	[hbm4b:s4+s8] =	stream.strided.scatter [tilespmem:s7], [sflag:$0x1], $0x2800, s9, s8, $0x38;
	[tilespmem:$0x5400] =	vst v63  }
0x1e: {  	_ =	swait.ge [sflag:s6], $0x2800  }
0x1f: {  	[sflag:s6] =	ssyncset.done $0x0  }
0x20: {  	[sflag:s6] =	ssyncadd.s32 $0xFFFFD800  }
0x21: {  	_ =	sfence.sel $0x180000  }
0x22: {  	[bflag:$0x0] =	sbarrier.arrive $0xFFFF  }
0x23: {  	p0 =	sne.s32 s0, $0x0;
	_ =	strace $0x90000047  }
0x24: {  	s0 =	sadd.s32 @!p0 $0x100000, s1;
	[bflag:$0x2] =	sbarrier.arrive $0xFFFF  }
0x25: {  	[sflag:s0] =	ssyncadd.tile.s32 @!p0 $0x1;
	_ =	shalt  }
.Lfunc_end2:
_tile_overlayer_lowered:
.L_overlay_start_2:
0x26: {  	(tag) =	ssettag $0x2  }
0x27: {  	s0 =	rddreg [dreg:$0x0];
	s2 =	stileid.u32  }
0x28: {  	s1 =	rddreg [dreg:$0x1];
	p0 =	sne.s32 s2, $0x0  }
0x29: {  	s3 =	rddreg [dreg:$0x2];
	[bflag:$0x3] =	sbarrier.arrive $0xFFFF;
	s2 =	simm.s32 @!p0 $0x1C01  }
0x2a: {  	[timem:s3], [sflag:s2] =	dma.local @!p0 [hbm:s0], s1  }
0x2b: {  	s0 =	simm.s32 @!p0 $0x1  }
0x2c: {  	_ =	swait.ge @!p0 [sflag:s0], s1  }
0x2d: {  	s1 =	ssub.s32 @!p0 $0x0, s1;
	[sflag:s0] =	ssyncset.done @!p0 $0x0  }
0x2e: {  	[sflag:s0] =	ssyncadd.s32 @!p0 s1  }
0x2f: {  	[bflag:$0x3] =	sbarrier.arrive $0xFFFF  }
0x30: {  	_ =	shalt  }

</sc_bundles>
